<compile_context>
chip_gen: v7x
topology: tpu7x:2x2x1
jax: 0.10.2.dev20260603
libtpu: 0.0.44.dev20260713+nightly
codegen_flags: <defaults>
</compile_context>

<pallas_src>
import functools

import jax
import jax.numpy as jnp
from jax import lax
from jax.experimental import pallas as pl
from jax.experimental.pallas import tpu as pltpu
from jax.experimental.pallas import tpu_sc as plsc

_B, _N, _E, _IN = 2, 10000, 160000, 128
_H1, _H2, _OUT = 32, 30, 128
_HP = _H2 + 2

_NSUB = 16
_EPT = _E // _NSUB
_CHUNK = 80
_NCH = _EPT // _CHUNK
_NPT = _N // _NSUB
_SUB = 5
_STEP = _CHUNK * _SUB
_NST = _EPT // _STEP

_SC_MESH = plsc.VectorSubcoreMesh(core_axis_name="c", subcore_axis_name="s")



def _stats_body(ea_ref, o_ref):
    a = ea_ref[...]
    s1 = jnp.sum(a, axis=0, keepdims=True)
    s2 = jnp.sum(a * a, axis=0, keepdims=True)
    even = (lax.broadcasted_iota(jnp.int32, (1, 128), 1) % 2) == 0
    sum0 = jnp.sum(jnp.where(even, s1, 0.0))
    sum1 = jnp.sum(jnp.where(even, 0.0, s1))
    sq0 = jnp.sum(jnp.where(even, s2, 0.0))
    sq1 = jnp.sum(jnp.where(even, 0.0, s2))
    m0, m1 = sum0 / _E, sum1 / _E
    v0 = (sq0 - _E * m0 * m0) / (_E - 1)
    v1 = (sq1 - _E * m1 * m1) / (_E - 1)
    sd0 = jnp.maximum(jnp.sqrt(v0), 1e-6)
    sd1 = jnp.maximum(jnp.sqrt(v1), 1e-6)
    row = lax.broadcasted_iota(jnp.int32, (2, 2), 0)
    col = lax.broadcasted_iota(jnp.int32, (2, 2), 1)
    o_ref[...] = jnp.where(row == 0,
                           jnp.where(col == 0, m0, m1),
                           jnp.where(col == 0, sd0, sd1))


def _edge_stats(edge_attr):
    return pl.pallas_call(
        _stats_body,
        out_shape=jax.ShapeDtypeStruct((2, 2), jnp.float32),
    )(edge_attr.reshape(_E // 64, 128))


def _tables_body(x_ref, w1s_ref, w1d_ref, s_ref, t_ref):
    xb = x_ref[...]
    p = jnp.dot(xb, w1s_ref[...], preferred_element_type=jnp.float32)
    q = jnp.dot(xb, w1d_ref[...], preferred_element_type=jnp.float32)
    speed = jnp.maximum(xb[:, 126:127] * 2.0 + 3.0, 0.0)
    ang = (xb[:, 127:128] * 90.0 + 180.0) * (jnp.pi / 180.0)
    u = speed * jnp.cos(ang)
    v = speed * jnp.sin(ang)
    pad = jnp.zeros((xb.shape[0], 14), jnp.float32)
    s_ref[...] = jnp.concatenate([p, u, v, pad], axis=1)
    t_ref[...] = q


def _node_tables(x2d, w1s, w1d):
    nb = 1000
    rows = x2d.shape[0]
    return pl.pallas_call(
        _tables_body,
        grid=(rows // nb,),
        in_specs=[
            pl.BlockSpec((nb, _IN), lambda i: (i, 0)),
            pl.BlockSpec((_IN, _H1), lambda i: (0, 0)),
            pl.BlockSpec((_IN, _H1), lambda i: (0, 0)),
        ],
        out_specs=[
            pl.BlockSpec((nb, 48), lambda i: (i, 0)),
            pl.BlockSpec((nb, _H1), lambda i: (i, 0)),
        ],
        out_shape=[
            jax.ShapeDtypeStruct((rows, 48), jnp.float32),
            jax.ShapeDtypeStruct((rows, _H1), jnp.float32),
        ],
    )(x2d, w1s, w1d)


def _edge_body(g1_ref, ea_ref, st_ref, w1e_ref, w1w_ref, b1_ref,
               w2_ref, b2_ref, hp_ref):
    g1 = g1_ref[...]
    ea = ea_ref[...]
    dist = jnp.maximum(ea[:, 0:1], 0.001)
    cd = ea[:, 1:2]
    aa = 3.0 * jnp.cos(cd) / dist
    bb = 3.0 * jnp.sin(cd) / dist
    ew = jnp.maximum(aa * g1[:, 32:33] + bb * g1[:, 33:34], 0.0)
    ean = (ea - st_ref[0:1, :]) / st_ref[1:2, :]
    pre = (g1[:, 0:32]
           + jnp.dot(ean, w1e_ref[...], preferred_element_type=jnp.float32)
           + ew * w1w_ref[...]
           + b1_ref[...])
    h = jax.nn.sigmoid(pre)
    h2 = jax.nn.sigmoid(
        jnp.dot(h, w2_ref[...], preferred_element_type=jnp.float32)
        + b2_ref[...])
    mask = (lax.broadcasted_iota(jnp.int32, (1, _HP), 1) < _H2)
    h2 = jnp.where(mask, h2, 0.0)
    hp_ref[...] = h2


def _edge_mlp(g1, edge_attr, stats, w1e, w1w, b1, w2p, b2p):
    eb = 4000
    nblk = _E // eb
    return pl.pallas_call(
        _edge_body,
        grid=(_B, nblk),
        in_specs=[
            pl.BlockSpec((eb, 48), lambda b, j: (b * nblk + j, 0)),
            pl.BlockSpec((eb, 2), lambda b, j: (j, 0)),
            pl.BlockSpec((2, 2), lambda b, j: (0, 0)),
            pl.BlockSpec((2, _H1), lambda b, j: (0, 0)),
            pl.BlockSpec((1, _H1), lambda b, j: (0, 0)),
            pl.BlockSpec((1, _H1), lambda b, j: (0, 0)),
            pl.BlockSpec((_H1, _HP), lambda b, j: (0, 0)),
            pl.BlockSpec((1, _HP), lambda b, j: (0, 0)),
        ],
        out_specs=pl.BlockSpec((eb, _HP), lambda b, j: (b * nblk + j, 0)),
        out_shape=jax.ShapeDtypeStruct((_B * _E, _HP), jnp.float32),
    )(g1, edge_attr, stats, w1e, w1w, b1, w2p, b2p)


def _final_body(at_ref, as_ref, wn_ref, bn_ref, o_ref):
    agg = at_ref[...] - as_ref[...]
    o_ref[...] = jax.nn.sigmoid(
        jnp.dot(agg, wn_ref[...], preferred_element_type=jnp.float32)
        + bn_ref[...])


def _node_mlp(aggt2d, aggs2d, wnp, bn2d):
    nb = 2000
    rows = aggt2d.shape[0]
    return pl.pallas_call(
        _final_body,
        grid=(rows // nb,),
        in_specs=[
            pl.BlockSpec((nb, _HP), lambda i: (i, 0)),
            pl.BlockSpec((nb, _HP), lambda i: (i, 0)),
            pl.BlockSpec((_HP, _OUT), lambda i: (0, 0)),
            pl.BlockSpec((1, _OUT), lambda i: (0, 0)),
        ],
        out_specs=pl.BlockSpec((nb, _OUT), lambda i: (i, 0)),
        out_shape=jax.ShapeDtypeStruct((rows, _OUT), jnp.float32),
    )(aggt2d, aggs2d, wnp, bn2d)



@functools.partial(
    pl.kernel,
    out_type=jax.ShapeDtypeStruct((_B * _E, 48), jnp.float32),
    mesh=_SC_MESH,
    scratch_types=[
        pltpu.VMEM((_NCH, _CHUNK), jnp.int32),
        pltpu.VMEM((_NCH, _CHUNK), jnp.int32),
        pltpu.VMEM((_STEP, 48), jnp.float32),
        pltpu.VMEM((_STEP, 32), jnp.float32),
        pltpu.SemaphoreType.DMA,
    ],
    compiler_params=pltpu.CompilerParams(use_tc_tiling_on_sc=False),
)
def _sc_gather(idxs_hbm, idxt_hbm, s_hbm, t_hbm, g1_hbm,
               iva, ivb, buf1, buf2, sem):
    c = lax.axis_index("c")
    s = lax.axis_index("s")
    base = c * _E + s * _EPT
    brow = c * (_E // _CHUNK) + s * _NCH
    pltpu.sync_copy(idxs_hbm.at[pl.ds(brow, _NCH)], iva)
    pltpu.sync_copy(idxt_hbm.at[pl.ds(brow, _NCH)], ivb)

    def body(i, carry):
        descs = []
        for k in range(_SUB):
            row = i * _SUB + k
            descs.append(pltpu.async_copy(
                s_hbm.at[iva.at[row]], buf1.at[pl.ds(k * _CHUNK, _CHUNK)],
                sem))
            descs.append(pltpu.async_copy(
                t_hbm.at[ivb.at[row]], buf2.at[pl.ds(k * _CHUNK, _CHUNK)],
                sem))
        for d in descs:
            d.wait()

        def add_row(r, acc):
            buf1[r, pl.ds(0, 16)] = buf1[r, pl.ds(0, 16)] + buf2[r, pl.ds(0, 16)]
            buf1[r, pl.ds(16, 16)] = (buf1[r, pl.ds(16, 16)]
                                      + buf2[r, pl.ds(16, 16)])
            return acc

        lax.fori_loop(0, _STEP, add_row, 0)
        off = base + i * _STEP
        pltpu.sync_copy(buf1, g1_hbm.at[pl.ds(off, _STEP)])
        return carry

    lax.fori_loop(0, _NST, body, 0)


@functools.partial(
    pl.kernel,
    out_type=(jax.ShapeDtypeStruct((_B, _N, 32), jnp.float32),
              jax.ShapeDtypeStruct((_B, _N, 32), jnp.float32)),
    mesh=_SC_MESH,
    scratch_types=[
        pltpu.VMEM((_NCH, _CHUNK), jnp.int32),
        pltpu.VMEM((_NCH, _CHUNK), jnp.int32),
        pltpu.VMEM((_STEP, 32), jnp.float32),
        pltpu.VMEM_SHARED((_N, 32), jnp.float32),
        pltpu.VMEM_SHARED((_N, 32), jnp.float32),
        pltpu.SemaphoreType.DMA,
    ],
    compiler_params=pltpu.CompilerParams(use_tc_tiling_on_sc=False),
)
def _sc_scatter(es_hbm, et_hbm, hp_hbm, z_hbm, outt_hbm, outs_hbm,
                ivs, ivt, bufp, acct_sh, accs_sh, sem):
    c = lax.axis_index("c")
    s = lax.axis_index("s")
    pltpu.sync_copy(z_hbm, acct_sh.at[pl.ds(s * _NPT, _NPT)])
    pltpu.sync_copy(z_hbm, accs_sh.at[pl.ds(s * _NPT, _NPT)])
    pltpu.sync_copy(es_hbm.at[pl.ds(s * _NCH, _NCH)], ivs)
    pltpu.sync_copy(et_hbm.at[pl.ds(s * _NCH, _NCH)], ivt)
    plsc.subcore_barrier()

    base_h = c * _E + s * _EPT

    def body(i, carry):
        offh = base_h + i * _STEP
        pltpu.sync_copy(hp_hbm.at[pl.ds(offh, _STEP)], bufp)
        descs = []
        for k in range(_SUB):
            row = i * _SUB + k
            chunk = bufp.at[pl.ds(k * _CHUNK, _CHUNK)]
            descs.append(pltpu.async_copy(
                chunk, acct_sh.at[ivt.at[row]], sem, add=True))
            descs.append(pltpu.async_copy(
                chunk, accs_sh.at[ivs.at[row]], sem, add=True))
        for d in descs:
            d.wait()
        return carry

    lax.fori_loop(0, _NST, body, 0)
    plsc.subcore_barrier()
    pltpu.sync_copy(acct_sh.at[pl.ds(s * _NPT, _NPT)],
                    outt_hbm.at[c, pl.ds(s * _NPT, _NPT)])
    pltpu.sync_copy(accs_sh.at[pl.ds(s * _NPT, _NPT)],
                    outs_hbm.at[c, pl.ds(s * _NPT, _NPT)])



def kernel(x, edge_index, edge_attr, W1, b1, W2, b2, Wn, bn):
    bv, nv, in_dim = x.shape
    ei = edge_index.astype(jnp.int32)

    w1s = W1[0:in_dim]
    w1d = W1[in_dim:2 * in_dim]
    w1e = W1[2 * in_dim:2 * in_dim + 2]
    w1w = W1[2 * in_dim + 2:2 * in_dim + 3]
    b1r = b1.reshape(1, _H1)
    w2p = jnp.pad(W2, ((0, 0), (0, 2)))
    b2p = jnp.pad(b2, (0, 2)).reshape(1, _HP)
    wnp = jnp.pad(Wn, ((0, 2), (0, 0)))
    bnr = bn.reshape(1, _OUT)

    boff = (jnp.arange(bv, dtype=jnp.int32) * nv)[:, None]
    idxs_2d = (ei[0][None, :] + boff).reshape(-1, _CHUNK)
    idxt_2d = (ei[1][None, :] + boff).reshape(-1, _CHUNK)

    stats = _edge_stats(edge_attr)
    s_tab, t_tab = _node_tables(x.reshape(bv * nv, in_dim), w1s, w1d)
    g1 = _sc_gather(idxs_2d, idxt_2d, s_tab, t_tab)
    hp = _edge_mlp(g1, edge_attr, stats, w1e, w1w, b1r, w2p, b2p)
    zrows = jnp.zeros((_NPT, 32), jnp.float32)
    aggt, aggs = _sc_scatter(ei[0].reshape(-1, _CHUNK),
                             ei[1].reshape(-1, _CHUNK), hp, zrows)
    out = _node_mlp(aggt.reshape(bv * nv, _HP), aggs.reshape(bv * nv, _HP),
                    wnp, bnr)
    return out.reshape(bv, nv, _OUT)

# --- scband reference (transcript-rebuilt; emitter-appended) ---
"""Pipeline reference for scband-graph-gnn-16509854286701 (READ-ONLY COPY).

The authoritative reference and input builder live on the scoring server;
editing this copy changes nothing except your own understanding.
"""

import jax, jax.numpy as jnp
import numpy as np

B, N, E, IN_DIM, OUT_DIM = 2, 10000, 160000, 128, 128
EDGE_HIDDEN, EDGE_OUT = 32, 30


def setup_inputs(seed: int = 0) -> dict:
    key = jax.random.key(seed)
    ks = jax.random.split(key, 9)
    x = jax.random.normal(ks[0], (B, N, IN_DIM), dtype=jnp.float32)
    edge_index = jax.random.randint(ks[1], (2, E), 0, N)
    edge_attr = jax.random.uniform(ks[2], (E, 2), dtype=jnp.float32)
    in_feat = 2 * IN_DIM + 2 + 1
    W1 = jax.random.normal(ks[3], (in_feat, EDGE_HIDDEN), dtype=jnp.float32) * 0.1
    b1 = jnp.zeros((EDGE_HIDDEN,), dtype=jnp.float32)
    W2 = jax.random.normal(ks[4], (EDGE_HIDDEN, EDGE_OUT), dtype=jnp.float32) * 0.1
    b2 = jnp.zeros((EDGE_OUT,), dtype=jnp.float32)
    Wn = jax.random.normal(ks[5], (EDGE_OUT, OUT_DIM), dtype=jnp.float32) * 0.1
    bn = jnp.zeros((OUT_DIM,), dtype=jnp.float32)
    return {"x": x, "edge_index": edge_index, "edge_attr": edge_attr,
            "W1": W1, "b1": b1, "W2": W2, "b2": b2, "Wn": Wn, "bn": bn}


def reference(x, edge_index, edge_attr, W1, b1, W2, b2, Wn, bn):
    wind_mean = jnp.array([3.0, 180.0], dtype=jnp.float32)
    wind_std = jnp.maximum(jnp.array([2.0, 90.0], dtype=jnp.float32), 1e-6)
    e_mean = jnp.mean(edge_attr, axis=0, keepdims=True)
    e_std = jnp.maximum(jnp.std(edge_attr, axis=0, keepdims=True, ddof=1), 1e-6)
    edge_attr_norm = (edge_attr - e_mean) / e_std
    edge_src = edge_index[0]
    edge_target = edge_index[1]
    node_src = x[:, edge_src]
    node_target = x[:, edge_target]
    Bv = x.shape[0]
    ea = jnp.broadcast_to(edge_attr[None], (Bv,) + edge_attr.shape)
    ean = jnp.broadcast_to(edge_attr_norm[None], (Bv,) + edge_attr_norm.shape)
    city_dist = jnp.maximum(ea[..., 0], 0.001)
    city_direc = ea[..., 1]
    src_wind = node_src[..., -2:] * wind_std.reshape(1, 1, 2) + wind_mean.reshape(1, 1, 2)
    src_wind_speed = jnp.maximum(src_wind[..., 0], 0.0)
    src_wind_direc = jnp.deg2rad(src_wind[..., 1])
    theta = jnp.abs(city_direc - src_wind_direc)
    edge_weight = jax.nn.relu(3.0 * src_wind_speed * jnp.cos(theta) / city_dist)
    out = jnp.concatenate([node_src, node_target, ean, edge_weight[..., None]], axis=-1)
    h = jax.nn.sigmoid(out @ W1 + b1)
    h = jax.nn.sigmoid(h @ W2 + b2)
    Nn = x.shape[1]
    out_add = jnp.zeros((Bv, Nn, h.shape[-1]), h.dtype).at[:, edge_target, :].add(h)
    out_sub = jnp.zeros((Bv, Nn, h.shape[-1]), h.dtype).at[:, edge_src, :].add(-h)
    agg = out_add + out_sub
    return jax.nn.sigmoid(agg @ Wn + bn)

if __name__ == "__main__":
    import jax
    _d = setup_inputs()
    print(jax.jit(kernel)(*tuple(_d.values())))

</pallas_src>

<mosaic_0001>
#map = affine_map<(d0, d1) -> (0, 0)>
module attributes {stable_mosaic.version = 14 : i64} {
  func.func @_sc_gather(%arg0: i32, %arg1: i32, %arg2: memref<4000x80xi32, #tpu.memory_space<hbm>>, %arg3: memref<4000x80xi32, #tpu.memory_space<hbm>>, %arg4: memref<20000x48xf32, #tpu.memory_space<hbm>>, %arg5: memref<20000x32xf32, #tpu.memory_space<hbm>>, %arg6: memref<320000x48xf32, #tpu.memory_space<hbm>>, %arg7: memref<125x80xi32, #tpu.memory_space<vmem>>, %arg8: memref<125x80xi32, #tpu.memory_space<vmem>>, %arg9: memref<400x48xf32, #tpu.memory_space<vmem>>, %arg10: memref<400x32xf32, #tpu.memory_space<vmem>>, %arg11: memref<!tpu.dma_semaphore, #tpu.memory_space<semaphore_mem>>) attributes {dimension_semantics = [#tpu.dimension_semantics<core_parallel>, #tpu.dimension_semantics<subcore_parallel>], iteration_bounds = array<i64: 2, 16>, scalar_prefetch = 0 : i64, scratch_operands = 5 : i64, tpu.core_type = #tpu.core_type<sc_vector_subcore>, window_params = [{transform_indices = #map}, {transform_indices = #map}, {transform_indices = #map}, {transform_indices = #map}, {transform_indices = #map}]} {
    %mul3A = arith.constant 160000 : i32
    %mul3A_0 = arith.muli %arg0, %mul3A : i32
    %mul3A_1 = arith.constant 10000 : i32
    %mul3A_2 = arith.muli %arg1, %mul3A_1 : i32
    %add3A = arith.addi %mul3A_0, %mul3A_2 : i32
    %mul3A_3 = arith.constant 2000 : i32
    %mul3A_4 = arith.muli %arg0, %mul3A_3 : i32
    %mul3A_5 = arith.constant 125 : i32
    %mul3A_6 = arith.muli %arg1, %mul3A_5 : i32
    %add3A_7 = arith.addi %mul3A_4, %mul3A_6 : i32
    "tpu.region"() ({
      %run_scoped3A = tpu.sem_alloc : memref<!tpu.dma_semaphore, #tpu.memory_space<semaphore_mem>>
      %dma_start3A = arith.constant 0 : i32
      %dma_start3A_13 = tpu.memref_slice %arg2[%add3A_7, %dma_start3A] : memref<4000x80xi32, #tpu.memory_space<hbm>> -> memref<125x80xi32, #tpu.memory_space<hbm>>
      %dma_start3A_14 = arith.constant 0 : i32
      %dma_start3A_15 = tpu.memref_slice %arg2[%add3A_7, %dma_start3A_14] : memref<4000x80xi32, #tpu.memory_space<hbm>> -> memref<125x80xi32, #tpu.memory_space<hbm>>
      tpu.enqueue_dma source(%dma_start3A_15 : memref<125x80xi32, #tpu.memory_space<hbm>>) target(%arg7 : memref<125x80xi32, #tpu.memory_space<vmem>>) target_semaphore(%run_scoped3A : memref<!tpu.dma_semaphore, #tpu.memory_space<semaphore_mem>>)
      %dma_wait3A = arith.constant 0 : i32
      %dma_wait3A_16 = tpu.memref_slice %arg2[%add3A_7, %dma_wait3A] : memref<4000x80xi32, #tpu.memory_space<hbm>> -> memref<125x80xi32, #tpu.memory_space<hbm>>
      %dma_wait3A_17 = arith.constant 0 : i32
      %dma_wait3A_18 = tpu.memref_slice %arg2[%add3A_7, %dma_wait3A_17] : memref<4000x80xi32, #tpu.memory_space<hbm>> -> memref<125x80xi32, #tpu.memory_space<hbm>>
      tpu.wait_dma2 semaphore(%run_scoped3A : memref<!tpu.dma_semaphore, #tpu.memory_space<semaphore_mem>>) src(%dma_wait3A_18 : memref<125x80xi32, #tpu.memory_space<hbm>>) dst(%arg7 : memref<125x80xi32, #tpu.memory_space<vmem>>)
      tpu.yield
    }) : () -> ()
    "tpu.region"() ({
      %run_scoped3A = tpu.sem_alloc : memref<!tpu.dma_semaphore, #tpu.memory_space<semaphore_mem>>
      %dma_start3A = arith.constant 0 : i32
      %dma_start3A_13 = tpu.memref_slice %arg3[%add3A_7, %dma_start3A] : memref<4000x80xi32, #tpu.memory_space<hbm>> -> memref<125x80xi32, #tpu.memory_space<hbm>>
      %dma_start3A_14 = arith.constant 0 : i32
      %dma_start3A_15 = tpu.memref_slice %arg3[%add3A_7, %dma_start3A_14] : memref<4000x80xi32, #tpu.memory_space<hbm>> -> memref<125x80xi32, #tpu.memory_space<hbm>>
      tpu.enqueue_dma source(%dma_start3A_15 : memref<125x80xi32, #tpu.memory_space<hbm>>) target(%arg8 : memref<125x80xi32, #tpu.memory_space<vmem>>) target_semaphore(%run_scoped3A : memref<!tpu.dma_semaphore, #tpu.memory_space<semaphore_mem>>)
      %dma_wait3A = arith.constant 0 : i32
      %dma_wait3A_16 = tpu.memref_slice %arg3[%add3A_7, %dma_wait3A] : memref<4000x80xi32, #tpu.memory_space<hbm>> -> memref<125x80xi32, #tpu.memory_space<hbm>>
      %dma_wait3A_17 = arith.constant 0 : i32
      %dma_wait3A_18 = tpu.memref_slice %arg3[%add3A_7, %dma_wait3A_17] : memref<4000x80xi32, #tpu.memory_space<hbm>> -> memref<125x80xi32, #tpu.memory_space<hbm>>
      tpu.wait_dma2 semaphore(%run_scoped3A : memref<!tpu.dma_semaphore, #tpu.memory_space<semaphore_mem>>) src(%dma_wait3A_18 : memref<125x80xi32, #tpu.memory_space<hbm>>) dst(%arg8 : memref<125x80xi32, #tpu.memory_space<vmem>>)
      tpu.yield
    }) : () -> ()
    %scan3A = arith.constant 0 : i32
    %scan3A_8 = arith.constant 0 : i32
    %scan3A_9 = arith.constant 25 : i32
    %scan3A_10 = arith.addi %scan3A_8, %scan3A_9 : i32
    %scan3A_11 = arith.constant 1 : i32
    scf.for %scan3A_13 = %scan3A_8 to %scan3A_10 step %scan3A_11  : i32 {
      %mul3A_14 = arith.constant 5 : i32
      %mul3A_15 = arith.muli %scan3A_13, %mul3A_14 : i32
      %add3A_16 = arith.constant 0 : i32
      %add3A_17 = arith.addi %mul3A_15, %add3A_16 : i32
      %dma_start3A = arith.constant 0 : i32
      %dma_start3A_18 = arith.constant 0 : i32
      %dma_start3A_19 = tpu.memref_slice %arg9[%dma_start3A, %dma_start3A_18] : memref<400x48xf32, #tpu.memory_space<vmem>> -> memref<80x48xf32, #tpu.memory_space<vmem>>
      %dma_start3A_20 = arith.constant 0 : i32
      %dma_start3A_21 = tpu.memref_slice %arg7[%add3A_17, %dma_start3A_20] : memref<125x80xi32, #tpu.memory_space<vmem>> -> memref<1x80xi32, #tpu.memory_space<vmem>>
      %dma_start3A_22 = tpu.memref_squeeze %dma_start3A_21 : memref<1x80xi32, #tpu.memory_space<vmem>> -> memref<80xi32, #tpu.memory_space<vmem>>
      %dma_start3A_23 = arith.constant 0 : i32
      %dma_start3A_24 = arith.constant 0 : i32
      %dma_start3A_25 = tpu.memref_slice %arg4[%dma_start3A_23, %dma_start3A_24] : memref<20000x48xf32, #tpu.memory_space<hbm>> -> memref<20000x48xf32, #tpu.memory_space<hbm>>
      tpu.enqueue_indirect_dma source(%dma_start3A_25 : memref<20000x48xf32, #tpu.memory_space<hbm>>) target(%dma_start3A_19 : memref<80x48xf32, #tpu.memory_space<vmem>>) offsets(%dma_start3A_22 : memref<80xi32, #tpu.memory_space<vmem>>) semaphore(%arg11 : memref<!tpu.dma_semaphore, #tpu.memory_space<semaphore_mem>>)
      %dma_start3A_26 = arith.constant 0 : i32
      %dma_start3A_27 = arith.constant 0 : i32
      %dma_start3A_28 = tpu.memref_slice %arg10[%dma_start3A_26, %dma_start3A_27] : memref<400x32xf32, #tpu.memory_space<vmem>> -> memref<80x32xf32, #tpu.memory_space<vmem>>
      %dma_start3A_29 = arith.constant 0 : i32
      %dma_start3A_30 = tpu.memref_slice %arg8[%add3A_17, %dma_start3A_29] : memref<125x80xi32, #tpu.memory_space<vmem>> -> memref<1x80xi32, #tpu.memory_space<vmem>>
      %dma_start3A_31 = tpu.memref_squeeze %dma_start3A_30 : memref<1x80xi32, #tpu.memory_space<vmem>> -> memref<80xi32, #tpu.memory_space<vmem>>
      %dma_start3A_32 = arith.constant 0 : i32
      %dma_start3A_33 = arith.constant 0 : i32
      %dma_start3A_34 = tpu.memref_slice %arg5[%dma_start3A_32, %dma_start3A_33] : memref<20000x32xf32, #tpu.memory_space<hbm>> -> memref<20000x32xf32, #tpu.memory_space<hbm>>
      tpu.enqueue_indirect_dma source(%dma_start3A_34 : memref<20000x32xf32, #tpu.memory_space<hbm>>) target(%dma_start3A_28 : memref<80x32xf32, #tpu.memory_space<vmem>>) offsets(%dma_start3A_31 : memref<80xi32, #tpu.memory_space<vmem>>) semaphore(%arg11 : memref<!tpu.dma_semaphore, #tpu.memory_space<semaphore_mem>>)
      %mul3A_35 = arith.constant 5 : i32
      %mul3A_36 = arith.muli %scan3A_13, %mul3A_35 : i32
      %add3A_37 = arith.constant 1 : i32
      %add3A_38 = arith.addi %mul3A_36, %add3A_37 : i32
      %dma_start3A_39 = arith.constant 80 : i32
      %dma_start3A_40 = arith.constant 0 : i32
      %dma_start3A_41 = tpu.memref_slice %arg9[%dma_start3A_39, %dma_start3A_40] : memref<400x48xf32, #tpu.memory_space<vmem>> -> memref<80x48xf32, #tpu.memory_space<vmem>>
      %dma_start3A_42 = arith.constant 0 : i32
      %dma_start3A_43 = tpu.memref_slice %arg7[%add3A_38, %dma_start3A_42] : memref<125x80xi32, #tpu.memory_space<vmem>> -> memref<1x80xi32, #tpu.memory_space<vmem>>
      %dma_start3A_44 = tpu.memref_squeeze %dma_start3A_43 : memref<1x80xi32, #tpu.memory_space<vmem>> -> memref<80xi32, #tpu.memory_space<vmem>>
      %dma_start3A_45 = arith.constant 0 : i32
      %dma_start3A_46 = arith.constant 0 : i32
      %dma_start3A_47 = tpu.memref_slice %arg4[%dma_start3A_45, %dma_start3A_46] : memref<20000x48xf32, #tpu.memory_space<hbm>> -> memref<20000x48xf32, #tpu.memory_space<hbm>>
      tpu.enqueue_indirect_dma source(%dma_start3A_47 : memref<20000x48xf32, #tpu.memory_space<hbm>>) target(%dma_start3A_41 : memref<80x48xf32, #tpu.memory_space<vmem>>) offsets(%dma_start3A_44 : memref<80xi32, #tpu.memory_space<vmem>>) semaphore(%arg11 : memref<!tpu.dma_semaphore, #tpu.memory_space<semaphore_mem>>)
      %dma_start3A_48 = arith.constant 80 : i32
      %dma_start3A_49 = arith.constant 0 : i32
      %dma_start3A_50 = tpu.memref_slice %arg10[%dma_start3A_48, %dma_start3A_49] : memref<400x32xf32, #tpu.memory_space<vmem>> -> memref<80x32xf32, #tpu.memory_space<vmem>>
      %dma_start3A_51 = arith.constant 0 : i32
      %dma_start3A_52 = tpu.memref_slice %arg8[%add3A_38, %dma_start3A_51] : memref<125x80xi32, #tpu.memory_space<vmem>> -> memref<1x80xi32, #tpu.memory_space<vmem>>
      %dma_start3A_53 = tpu.memref_squeeze %dma_start3A_52 : memref<1x80xi32, #tpu.memory_space<vmem>> -> memref<80xi32, #tpu.memory_space<vmem>>
      %dma_start3A_54 = arith.constant 0 : i32
      %dma_start3A_55 = arith.constant 0 : i32
      %dma_start3A_56 = tpu.memref_slice %arg5[%dma_start3A_54, %dma_start3A_55] : memref<20000x32xf32, #tpu.memory_space<hbm>> -> memref<20000x32xf32, #tpu.memory_space<hbm>>
      tpu.enqueue_indirect_dma source(%dma_start3A_56 : memref<20000x32xf32, #tpu.memory_space<hbm>>) target(%dma_start3A_50 : memref<80x32xf32, #tpu.memory_space<vmem>>) offsets(%dma_start3A_53 : memref<80xi32, #tpu.memory_space<vmem>>) semaphore(%arg11 : memref<!tpu.dma_semaphore, #tpu.memory_space<semaphore_mem>>)
      %mul3A_57 = arith.constant 5 : i32
      %mul3A_58 = arith.muli %scan3A_13, %mul3A_57 : i32
      %add3A_59 = arith.constant 2 : i32
      %add3A_60 = arith.addi %mul3A_58, %add3A_59 : i32
      %dma_start3A_61 = arith.constant 160 : i32
      %dma_start3A_62 = arith.constant 0 : i32
      %dma_start3A_63 = tpu.memref_slice %arg9[%dma_start3A_61, %dma_start3A_62] : memref<400x48xf32, #tpu.memory_space<vmem>> -> memref<80x48xf32, #tpu.memory_space<vmem>>
      %dma_start3A_64 = arith.constant 0 : i32
      %dma_start3A_65 = tpu.memref_slice %arg7[%add3A_60, %dma_start3A_64] : memref<125x80xi32, #tpu.memory_space<vmem>> -> memref<1x80xi32, #tpu.memory_space<vmem>>
      %dma_start3A_66 = tpu.memref_squeeze %dma_start3A_65 : memref<1x80xi32, #tpu.memory_space<vmem>> -> memref<80xi32, #tpu.memory_space<vmem>>
      %dma_start3A_67 = arith.constant 0 : i32
      %dma_start3A_68 = arith.constant 0 : i32
      %dma_start3A_69 = tpu.memref_slice %arg4[%dma_start3A_67, %dma_start3A_68] : memref<20000x48xf32, #tpu.memory_space<hbm>> -> memref<20000x48xf32, #tpu.memory_space<hbm>>
      tpu.enqueue_indirect_dma source(%dma_start3A_69 : memref<20000x48xf32, #tpu.memory_space<hbm>>) target(%dma_start3A_63 : memref<80x48xf32, #tpu.memory_space<vmem>>) offsets(%dma_start3A_66 : memref<80xi32, #tpu.memory_space<vmem>>) semaphore(%arg11 : memref<!tpu.dma_semaphore, #tpu.memory_space<semaphore_mem>>)
      %dma_start3A_70 = arith.constant 160 : i32
      %dma_start3A_71 = arith.constant 0 : i32
      %dma_start3A_72 = tpu.memref_slice %arg10[%dma_start3A_70, %dma_start3A_71] : memref<400x32xf32, #tpu.memory_space<vmem>> -> memref<80x32xf32, #tpu.memory_space<vmem>>
      %dma_start3A_73 = arith.constant 0 : i32
      %dma_start3A_74 = tpu.memref_slice %arg8[%add3A_60, %dma_start3A_73] : memref<125x80xi32, #tpu.memory_space<vmem>> -> memref<1x80xi32, #tpu.memory_space<vmem>>
      %dma_start3A_75 = tpu.memref_squeeze %dma_start3A_74 : memref<1x80xi32, #tpu.memory_space<vmem>> -> memref<80xi32, #tpu.memory_space<vmem>>
      %dma_start3A_76 = arith.constant 0 : i32
      %dma_start3A_77 = arith.constant 0 : i32
      %dma_start3A_78 = tpu.memref_slice %arg5[%dma_start3A_76, %dma_start3A_77] : memref<20000x32xf32, #tpu.memory_space<hbm>> -> memref<20000x32xf32, #tpu.memory_space<hbm>>
      tpu.enqueue_indirect_dma source(%dma_start3A_78 : memref<20000x32xf32, #tpu.memory_space<hbm>>) target(%dma_start3A_72 : memref<80x32xf32, #tpu.memory_space<vmem>>) offsets(%dma_start3A_75 : memref<80xi32, #tpu.memory_space<vmem>>) semaphore(%arg11 : memref<!tpu.dma_semaphore, #tpu.memory_space<semaphore_mem>>)
      %mul3A_79 = arith.constant 5 : i32
      %mul3A_80 = arith.muli %scan3A_13, %mul3A_79 : i32
      %add3A_81 = arith.constant 3 : i32
      %add3A_82 = arith.addi %mul3A_80, %add3A_81 : i32
      %dma_start3A_83 = arith.constant 240 : i32
      %dma_start3A_84 = arith.constant 0 : i32
      %dma_start3A_85 = tpu.memref_slice %arg9[%dma_start3A_83, %dma_start3A_84] : memref<400x48xf32, #tpu.memory_space<vmem>> -> memref<80x48xf32, #tpu.memory_space<vmem>>
      %dma_start3A_86 = arith.constant 0 : i32
      %dma_start3A_87 = tpu.memref_slice %arg7[%add3A_82, %dma_start3A_86] : memref<125x80xi32, #tpu.memory_space<vmem>> -> memref<1x80xi32, #tpu.memory_space<vmem>>
      %dma_start3A_88 = tpu.memref_squeeze %dma_start3A_87 : memref<1x80xi32, #tpu.memory_space<vmem>> -> memref<80xi32, #tpu.memory_space<vmem>>
      %dma_start3A_89 = arith.constant 0 : i32
      %dma_start3A_90 = arith.constant 0 : i32
      %dma_start3A_91 = tpu.memref_slice %arg4[%dma_start3A_89, %dma_start3A_90] : memref<20000x48xf32, #tpu.memory_space<hbm>> -> memref<20000x48xf32, #tpu.memory_space<hbm>>
      tpu.enqueue_indirect_dma source(%dma_start3A_91 : memref<20000x48xf32, #tpu.memory_space<hbm>>) target(%dma_start3A_85 : memref<80x48xf32, #tpu.memory_space<vmem>>) offsets(%dma_start3A_88 : memref<80xi32, #tpu.memory_space<vmem>>) semaphore(%arg11 : memref<!tpu.dma_semaphore, #tpu.memory_space<semaphore_mem>>)
      %dma_start3A_92 = arith.constant 240 : i32
      %dma_start3A_93 = arith.constant 0 : i32
      %dma_start3A_94 = tpu.memref_slice %arg10[%dma_start3A_92, %dma_start3A_93] : memref<400x32xf32, #tpu.memory_space<vmem>> -> memref<80x32xf32, #tpu.memory_space<vmem>>
      %dma_start3A_95 = arith.constant 0 : i32
      %dma_start3A_96 = tpu.memref_slice %arg8[%add3A_82, %dma_start3A_95] : memref<125x80xi32, #tpu.memory_space<vmem>> -> memref<1x80xi32, #tpu.memory_space<vmem>>
      %dma_start3A_97 = tpu.memref_squeeze %dma_start3A_96 : memref<1x80xi32, #tpu.memory_space<vmem>> -> memref<80xi32, #tpu.memory_space<vmem>>
      %dma_start3A_98 = arith.constant 0 : i32
      %dma_start3A_99 = arith.constant 0 : i32
      %dma_start3A_100 = tpu.memref_slice %arg5[%dma_start3A_98, %dma_start3A_99] : memref<20000x32xf32, #tpu.memory_space<hbm>> -> memref<20000x32xf32, #tpu.memory_space<hbm>>
      tpu.enqueue_indirect_dma source(%dma_start3A_100 : memref<20000x32xf32, #tpu.memory_space<hbm>>) target(%dma_start3A_94 : memref<80x32xf32, #tpu.memory_space<vmem>>) offsets(%dma_start3A_97 : memref<80xi32, #tpu.memory_space<vmem>>) semaphore(%arg11 : memref<!tpu.dma_semaphore, #tpu.memory_space<semaphore_mem>>)
      %mul3A_101 = arith.constant 5 : i32
      %mul3A_102 = arith.muli %scan3A_13, %mul3A_101 : i32
      %add3A_103 = arith.constant 4 : i32
      %add3A_104 = arith.addi %mul3A_102, %add3A_103 : i32
      %dma_start3A_105 = arith.constant 320 : i32
      %dma_start3A_106 = arith.constant 0 : i32
      %dma_start3A_107 = tpu.memref_slice %arg9[%dma_start3A_105, %dma_start3A_106] : memref<400x48xf32, #tpu.memory_space<vmem>> -> memref<80x48xf32, #tpu.memory_space<vmem>>
      %dma_start3A_108 = arith.constant 0 : i32
      %dma_start3A_109 = tpu.memref_slice %arg7[%add3A_104, %dma_start3A_108] : memref<125x80xi32, #tpu.memory_space<vmem>> -> memref<1x80xi32, #tpu.memory_space<vmem>>
      %dma_start3A_110 = tpu.memref_squeeze %dma_start3A_109 : memref<1x80xi32, #tpu.memory_space<vmem>> -> memref<80xi32, #tpu.memory_space<vmem>>
      %dma_start3A_111 = arith.constant 0 : i32
      %dma_start3A_112 = arith.constant 0 : i32
      %dma_start3A_113 = tpu.memref_slice %arg4[%dma_start3A_111, %dma_start3A_112] : memref<20000x48xf32, #tpu.memory_space<hbm>> -> memref<20000x48xf32, #tpu.memory_space<hbm>>
      tpu.enqueue_indirect_dma source(%dma_start3A_113 : memref<20000x48xf32, #tpu.memory_space<hbm>>) target(%dma_start3A_107 : memref<80x48xf32, #tpu.memory_space<vmem>>) offsets(%dma_start3A_110 : memref<80xi32, #tpu.memory_space<vmem>>) semaphore(%arg11 : memref<!tpu.dma_semaphore, #tpu.memory_space<semaphore_mem>>)
      %dma_start3A_114 = arith.constant 320 : i32
      %dma_start3A_115 = arith.constant 0 : i32
      %dma_start3A_116 = tpu.memref_slice %arg10[%dma_start3A_114, %dma_start3A_115] : memref<400x32xf32, #tpu.memory_space<vmem>> -> memref<80x32xf32, #tpu.memory_space<vmem>>
      %dma_start3A_117 = arith.constant 0 : i32
      %dma_start3A_118 = tpu.memref_slice %arg8[%add3A_104, %dma_start3A_117] : memref<125x80xi32, #tpu.memory_space<vmem>> -> memref<1x80xi32, #tpu.memory_space<vmem>>
      %dma_start3A_119 = tpu.memref_squeeze %dma_start3A_118 : memref<1x80xi32, #tpu.memory_space<vmem>> -> memref<80xi32, #tpu.memory_space<vmem>>
      %dma_start3A_120 = arith.constant 0 : i32
      %dma_start3A_121 = arith.constant 0 : i32
      %dma_start3A_122 = tpu.memref_slice %arg5[%dma_start3A_120, %dma_start3A_121] : memref<20000x32xf32, #tpu.memory_space<hbm>> -> memref<20000x32xf32, #tpu.memory_space<hbm>>
      tpu.enqueue_indirect_dma source(%dma_start3A_122 : memref<20000x32xf32, #tpu.memory_space<hbm>>) target(%dma_start3A_116 : memref<80x32xf32, #tpu.memory_space<vmem>>) offsets(%dma_start3A_119 : memref<80xi32, #tpu.memory_space<vmem>>) semaphore(%arg11 : memref<!tpu.dma_semaphore, #tpu.memory_space<semaphore_mem>>)
      %dma_wait3A = arith.constant 0 : i32
      %dma_wait3A_123 = arith.constant 0 : i32
      %dma_wait3A_124 = tpu.memref_slice %arg9[%dma_wait3A, %dma_wait3A_123] : memref<400x48xf32, #tpu.memory_space<vmem>> -> memref<80x48xf32, #tpu.memory_space<vmem>>
      %dma_wait3A_125 = arith.constant 0 : i32
      %dma_wait3A_126 = tpu.memref_slice %arg7[%add3A_17, %dma_wait3A_125] : memref<125x80xi32, #tpu.memory_space<vmem>> -> memref<1x80xi32, #tpu.memory_space<vmem>>
      %dma_wait3A_127 = tpu.memref_squeeze %dma_wait3A_126 : memref<1x80xi32, #tpu.memory_space<vmem>> -> memref<80xi32, #tpu.memory_space<vmem>>
      %dma_wait3A_128 = arith.constant 0 : i32
      %dma_wait3A_129 = arith.constant 0 : i32
      %dma_wait3A_130 = tpu.memref_slice %arg4[%dma_wait3A_128, %dma_wait3A_129] : memref<20000x48xf32, #tpu.memory_space<hbm>> -> memref<20000x48xf32, #tpu.memory_space<hbm>>
      tpu.wait_indirect_dma semaphore(%arg11 : memref<!tpu.dma_semaphore, #tpu.memory_space<semaphore_mem>>) src(%dma_wait3A_130 : memref<20000x48xf32, #tpu.memory_space<hbm>>) dst(%dma_wait3A_124 : memref<80x48xf32, #tpu.memory_space<vmem>>)
      %dma_wait3A_131 = arith.constant 0 : i32
      %dma_wait3A_132 = arith.constant 0 : i32
      %dma_wait3A_133 = tpu.memref_slice %arg10[%dma_wait3A_131, %dma_wait3A_132] : memref<400x32xf32, #tpu.memory_space<vmem>> -> memref<80x32xf32, #tpu.memory_space<vmem>>
      %dma_wait3A_134 = arith.constant 0 : i32
      %dma_wait3A_135 = tpu.memref_slice %arg8[%add3A_17, %dma_wait3A_134] : memref<125x80xi32, #tpu.memory_space<vmem>> -> memref<1x80xi32, #tpu.memory_space<vmem>>
      %dma_wait3A_136 = tpu.memref_squeeze %dma_wait3A_135 : memref<1x80xi32, #tpu.memory_space<vmem>> -> memref<80xi32, #tpu.memory_space<vmem>>
      %dma_wait3A_137 = arith.constant 0 : i32
      %dma_wait3A_138 = arith.constant 0 : i32
      %dma_wait3A_139 = tpu.memref_slice %arg5[%dma_wait3A_137, %dma_wait3A_138] : memref<20000x32xf32, #tpu.memory_space<hbm>> -> memref<20000x32xf32, #tpu.memory_space<hbm>>
      tpu.wait_indirect_dma semaphore(%arg11 : memref<!tpu.dma_semaphore, #tpu.memory_space<semaphore_mem>>) src(%dma_wait3A_139 : memref<20000x32xf32, #tpu.memory_space<hbm>>) dst(%dma_wait3A_133 : memref<80x32xf32, #tpu.memory_space<vmem>>)
      %dma_wait3A_140 = arith.constant 80 : i32
      %dma_wait3A_141 = arith.constant 0 : i32
      %dma_wait3A_142 = tpu.memref_slice %arg9[%dma_wait3A_140, %dma_wait3A_141] : memref<400x48xf32, #tpu.memory_space<vmem>> -> memref<80x48xf32, #tpu.memory_space<vmem>>
      %dma_wait3A_143 = arith.constant 0 : i32
      %dma_wait3A_144 = tpu.memref_slice %arg7[%add3A_38, %dma_wait3A_143] : memref<125x80xi32, #tpu.memory_space<vmem>> -> memref<1x80xi32, #tpu.memory_space<vmem>>
      %dma_wait3A_145 = tpu.memref_squeeze %dma_wait3A_144 : memref<1x80xi32, #tpu.memory_space<vmem>> -> memref<80xi32, #tpu.memory_space<vmem>>
      %dma_wait3A_146 = arith.constant 0 : i32
      %dma_wait3A_147 = arith.constant 0 : i32
      %dma_wait3A_148 = tpu.memref_slice %arg4[%dma_wait3A_146, %dma_wait3A_147] : memref<20000x48xf32, #tpu.memory_space<hbm>> -> memref<20000x48xf32, #tpu.memory_space<hbm>>
      tpu.wait_indirect_dma semaphore(%arg11 : memref<!tpu.dma_semaphore, #tpu.memory_space<semaphore_mem>>) src(%dma_wait3A_148 : memref<20000x48xf32, #tpu.memory_space<hbm>>) dst(%dma_wait3A_142 : memref<80x48xf32, #tpu.memory_space<vmem>>)
      %dma_wait3A_149 = arith.constant 80 : i32
      %dma_wait3A_150 = arith.constant 0 : i32
      %dma_wait3A_151 = tpu.memref_slice %arg10[%dma_wait3A_149, %dma_wait3A_150] : memref<400x32xf32, #tpu.memory_space<vmem>> -> memref<80x32xf32, #tpu.memory_space<vmem>>
      %dma_wait3A_152 = arith.constant 0 : i32
      %dma_wait3A_153 = tpu.memref_slice %arg8[%add3A_38, %dma_wait3A_152] : memref<125x80xi32, #tpu.memory_space<vmem>> -> memref<1x80xi32, #tpu.memory_space<vmem>>
      %dma_wait3A_154 = tpu.memref_squeeze %dma_wait3A_153 : memref<1x80xi32, #tpu.memory_space<vmem>> -> memref<80xi32, #tpu.memory_space<vmem>>
      %dma_wait3A_155 = arith.constant 0 : i32
      %dma_wait3A_156 = arith.constant 0 : i32
      %dma_wait3A_157 = tpu.memref_slice %arg5[%dma_wait3A_155, %dma_wait3A_156] : memref<20000x32xf32, #tpu.memory_space<hbm>> -> memref<20000x32xf32, #tpu.memory_space<hbm>>
      tpu.wait_indirect_dma semaphore(%arg11 : memref<!tpu.dma_semaphore, #tpu.memory_space<semaphore_mem>>) src(%dma_wait3A_157 : memref<20000x32xf32, #tpu.memory_space<hbm>>) dst(%dma_wait3A_151 : memref<80x32xf32, #tpu.memory_space<vmem>>)
      %dma_wait3A_158 = arith.constant 160 : i32
      %dma_wait3A_159 = arith.constant 0 : i32
      %dma_wait3A_160 = tpu.memref_slice %arg9[%dma_wait3A_158, %dma_wait3A_159] : memref<400x48xf32, #tpu.memory_space<vmem>> -> memref<80x48xf32, #tpu.memory_space<vmem>>
      %dma_wait3A_161 = arith.constant 0 : i32
      %dma_wait3A_162 = tpu.memref_slice %arg7[%add3A_60, %dma_wait3A_161] : memref<125x80xi32, #tpu.memory_space<vmem>> -> memref<1x80xi32, #tpu.memory_space<vmem>>
      %dma_wait3A_163 = tpu.memref_squeeze %dma_wait3A_162 : memref<1x80xi32, #tpu.memory_space<vmem>> -> memref<80xi32, #tpu.memory_space<vmem>>
      %dma_wait3A_164 = arith.constant 0 : i32
      %dma_wait3A_165 = arith.constant 0 : i32
      %dma_wait3A_166 = tpu.memref_slice %arg4[%dma_wait3A_164, %dma_wait3A_165] : memref<20000x48xf32, #tpu.memory_space<hbm>> -> memref<20000x48xf32, #tpu.memory_space<hbm>>
      tpu.wait_indirect_dma semaphore(%arg11 : memref<!tpu.dma_semaphore, #tpu.memory_space<semaphore_mem>>) src(%dma_wait3A_166 : memref<20000x48xf32, #tpu.memory_space<hbm>>) dst(%dma_wait3A_160 : memref<80x48xf32, #tpu.memory_space<vmem>>)
      %dma_wait3A_167 = arith.constant 160 : i32
      %dma_wait3A_168 = arith.constant 0 : i32
      %dma_wait3A_169 = tpu.memref_slice %arg10[%dma_wait3A_167, %dma_wait3A_168] : memref<400x32xf32, #tpu.memory_space<vmem>> -> memref<80x32xf32, #tpu.memory_space<vmem>>
      %dma_wait3A_170 = arith.constant 0 : i32
      %dma_wait3A_171 = tpu.memref_slice %arg8[%add3A_60, %dma_wait3A_170] : memref<125x80xi32, #tpu.memory_space<vmem>> -> memref<1x80xi32, #tpu.memory_space<vmem>>
      %dma_wait3A_172 = tpu.memref_squeeze %dma_wait3A_171 : memref<1x80xi32, #tpu.memory_space<vmem>> -> memref<80xi32, #tpu.memory_space<vmem>>
      %dma_wait3A_173 = arith.constant 0 : i32
      %dma_wait3A_174 = arith.constant 0 : i32
      %dma_wait3A_175 = tpu.memref_slice %arg5[%dma_wait3A_173, %dma_wait3A_174] : memref<20000x32xf32, #tpu.memory_space<hbm>> -> memref<20000x32xf32, #tpu.memory_space<hbm>>
      tpu.wait_indirect_dma semaphore(%arg11 : memref<!tpu.dma_semaphore, #tpu.memory_space<semaphore_mem>>) src(%dma_wait3A_175 : memref<20000x32xf32, #tpu.memory_space<hbm>>) dst(%dma_wait3A_169 : memref<80x32xf32, #tpu.memory_space<vmem>>)
      %dma_wait3A_176 = arith.constant 240 : i32
      %dma_wait3A_177 = arith.constant 0 : i32
      %dma_wait3A_178 = tpu.memref_slice %arg9[%dma_wait3A_176, %dma_wait3A_177] : memref<400x48xf32, #tpu.memory_space<vmem>> -> memref<80x48xf32, #tpu.memory_space<vmem>>
      %dma_wait3A_179 = arith.constant 0 : i32
      %dma_wait3A_180 = tpu.memref_slice %arg7[%add3A_82, %dma_wait3A_179] : memref<125x80xi32, #tpu.memory_space<vmem>> -> memref<1x80xi32, #tpu.memory_space<vmem>>
      %dma_wait3A_181 = tpu.memref_squeeze %dma_wait3A_180 : memref<1x80xi32, #tpu.memory_space<vmem>> -> memref<80xi32, #tpu.memory_space<vmem>>
      %dma_wait3A_182 = arith.constant 0 : i32
      %dma_wait3A_183 = arith.constant 0 : i32
      %dma_wait3A_184 = tpu.memref_slice %arg4[%dma_wait3A_182, %dma_wait3A_183] : memref<20000x48xf32, #tpu.memory_space<hbm>> -> memref<20000x48xf32, #tpu.memory_space<hbm>>
      tpu.wait_indirect_dma semaphore(%arg11 : memref<!tpu.dma_semaphore, #tpu.memory_space<semaphore_mem>>) src(%dma_wait3A_184 : memref<20000x48xf32, #tpu.memory_space<hbm>>) dst(%dma_wait3A_178 : memref<80x48xf32, #tpu.memory_space<vmem>>)
      %dma_wait3A_185 = arith.constant 240 : i32
      %dma_wait3A_186 = arith.constant 0 : i32
      %dma_wait3A_187 = tpu.memref_slice %arg10[%dma_wait3A_185, %dma_wait3A_186] : memref<400x32xf32, #tpu.memory_space<vmem>> -> memref<80x32xf32, #tpu.memory_space<vmem>>
      %dma_wait3A_188 = arith.constant 0 : i32
      %dma_wait3A_189 = tpu.memref_slice %arg8[%add3A_82, %dma_wait3A_188] : memref<125x80xi32, #tpu.memory_space<vmem>> -> memref<1x80xi32, #tpu.memory_space<vmem>>
      %dma_wait3A_190 = tpu.memref_squeeze %dma_wait3A_189 : memref<1x80xi32, #tpu.memory_space<vmem>> -> memref<80xi32, #tpu.memory_space<vmem>>
      %dma_wait3A_191 = arith.constant 0 : i32
      %dma_wait3A_192 = arith.constant 0 : i32
      %dma_wait3A_193 = tpu.memref_slice %arg5[%dma_wait3A_191, %dma_wait3A_192] : memref<20000x32xf32, #tpu.memory_space<hbm>> -> memref<20000x32xf32, #tpu.memory_space<hbm>>
      tpu.wait_indirect_dma semaphore(%arg11 : memref<!tpu.dma_semaphore, #tpu.memory_space<semaphore_mem>>) src(%dma_wait3A_193 : memref<20000x32xf32, #tpu.memory_space<hbm>>) dst(%dma_wait3A_187 : memref<80x32xf32, #tpu.memory_space<vmem>>)
      %dma_wait3A_194 = arith.constant 320 : i32
      %dma_wait3A_195 = arith.constant 0 : i32
      %dma_wait3A_196 = tpu.memref_slice %arg9[%dma_wait3A_194, %dma_wait3A_195] : memref<400x48xf32, #tpu.memory_space<vmem>> -> memref<80x48xf32, #tpu.memory_space<vmem>>
      %dma_wait3A_197 = arith.constant 0 : i32
      %dma_wait3A_198 = tpu.memref_slice %arg7[%add3A_104, %dma_wait3A_197] : memref<125x80xi32, #tpu.memory_space<vmem>> -> memref<1x80xi32, #tpu.memory_space<vmem>>
      %dma_wait3A_199 = tpu.memref_squeeze %dma_wait3A_198 : memref<1x80xi32, #tpu.memory_space<vmem>> -> memref<80xi32, #tpu.memory_space<vmem>>
      %dma_wait3A_200 = arith.constant 0 : i32
      %dma_wait3A_201 = arith.constant 0 : i32
      %dma_wait3A_202 = tpu.memref_slice %arg4[%dma_wait3A_200, %dma_wait3A_201] : memref<20000x48xf32, #tpu.memory_space<hbm>> -> memref<20000x48xf32, #tpu.memory_space<hbm>>
      tpu.wait_indirect_dma semaphore(%arg11 : memref<!tpu.dma_semaphore, #tpu.memory_space<semaphore_mem>>) src(%dma_wait3A_202 : memref<20000x48xf32, #tpu.memory_space<hbm>>) dst(%dma_wait3A_196 : memref<80x48xf32, #tpu.memory_space<vmem>>)
      %dma_wait3A_203 = arith.constant 320 : i32
      %dma_wait3A_204 = arith.constant 0 : i32
      %dma_wait3A_205 = tpu.memref_slice %arg10[%dma_wait3A_203, %dma_wait3A_204] : memref<400x32xf32, #tpu.memory_space<vmem>> -> memref<80x32xf32, #tpu.memory_space<vmem>>
      %dma_wait3A_206 = arith.constant 0 : i32
      %dma_wait3A_207 = tpu.memref_slice %arg8[%add3A_104, %dma_wait3A_206] : memref<125x80xi32, #tpu.memory_space<vmem>> -> memref<1x80xi32, #tpu.memory_space<vmem>>
      %dma_wait3A_208 = tpu.memref_squeeze %dma_wait3A_207 : memref<1x80xi32, #tpu.memory_space<vmem>> -> memref<80xi32, #tpu.memory_space<vmem>>
      %dma_wait3A_209 = arith.constant 0 : i32
      %dma_wait3A_210 = arith.constant 0 : i32
      %dma_wait3A_211 = tpu.memref_slice %arg5[%dma_wait3A_209, %dma_wait3A_210] : memref<20000x32xf32, #tpu.memory_space<hbm>> -> memref<20000x32xf32, #tpu.memory_space<hbm>>
      tpu.wait_indirect_dma semaphore(%arg11 : memref<!tpu.dma_semaphore, #tpu.memory_space<semaphore_mem>>) src(%dma_wait3A_211 : memref<20000x32xf32, #tpu.memory_space<hbm>>) dst(%dma_wait3A_205 : memref<80x32xf32, #tpu.memory_space<vmem>>)
      %scan3A_212 = arith.constant 0 : i32
      %scan3A_213 = arith.constant 0 : i32
      %scan3A_214 = arith.constant 400 : i32
      %scan3A_215 = arith.addi %scan3A_213, %scan3A_214 : i32
      %scan3A_216 = arith.constant 1 : i32
      scf.for %scan3A_221 = %scan3A_213 to %scan3A_215 step %scan3A_216  : i32 {
        %get3A = arith.index_cast %scan3A_221 : i32 to index
        %get3A_222 = arith.constant 0 : index
        %get3A_223 = tpu.vector_load %arg9[%get3A, %get3A_222] {strides = array<i32>} : memref<400x48xf32, #tpu.memory_space<vmem>>, vector<1x16xf32>,
        %get3A_224 = vector.shape_cast %get3A_223 : vector<1x16xf32> to vector<16xf32>
        %get3A_225 = arith.index_cast %scan3A_221 : i32 to index
        %get3A_226 = arith.constant 0 : index
        %get3A_227 = tpu.vector_load %arg10[%get3A_225, %get3A_226] {strides = array<i32>} : memref<400x32xf32, #tpu.memory_space<vmem>>, vector<1x16xf32>,
        %get3A_228 = vector.shape_cast %get3A_227 : vector<1x16xf32> to vector<16xf32>
        %add3A_229 = arith.addf %get3A_224, %get3A_228 : vector<16xf32>
        %swap3A = arith.index_cast %scan3A_221 : i32 to index
        %swap3A_230 = arith.constant 0 : index
        %swap3A_231 = tpu.vector_load %arg9[%swap3A, %swap3A_230] {strides = array<i32>} : memref<400x48xf32, #tpu.memory_space<vmem>>, vector<1x16xf32>,
        %swap3A_232 = vector.shape_cast %swap3A_231 : vector<1x16xf32> to vector<16xf32>
        %swap3A_233 = vector.shape_cast %add3A_229 : vector<16xf32> to vector<1x16xf32>
        tpu.vector_store %arg9[%swap3A, %swap3A_230], %swap3A_233 {strides = array<i32>} : memref<400x48xf32, #tpu.memory_space<vmem>>, vector<1x16xf32>,
        %get3A_234 = arith.index_cast %scan3A_221 : i32 to index
        %get3A_235 = arith.constant 16 : index
        %get3A_236 = tpu.vector_load %arg9[%get3A_234, %get3A_235] {strides = array<i32>} : memref<400x48xf32, #tpu.memory_space<vmem>>, vector<1x16xf32>,
        %get3A_237 = vector.shape_cast %get3A_236 : vector<1x16xf32> to vector<16xf32>
        %get3A_238 = arith.index_cast %scan3A_221 : i32 to index
        %get3A_239 = arith.constant 16 : index
        %get3A_240 = tpu.vector_load %arg10[%get3A_238, %get3A_239] {strides = array<i32>} : memref<400x32xf32, #tpu.memory_space<vmem>>, vector<1x16xf32>,
        %get3A_241 = vector.shape_cast %get3A_240 : vector<1x16xf32> to vector<16xf32>
        %add3A_242 = arith.addf %get3A_237, %get3A_241 : vector<16xf32>
        %swap3A_243 = arith.index_cast %scan3A_221 : i32 to index
        %swap3A_244 = arith.constant 16 : index
        %swap3A_245 = tpu.vector_load %arg9[%swap3A_243, %swap3A_244] {strides = array<i32>} : memref<400x48xf32, #tpu.memory_space<vmem>>, vector<1x16xf32>,
        %swap3A_246 = vector.shape_cast %swap3A_245 : vector<1x16xf32> to vector<16xf32>
        %swap3A_247 = vector.shape_cast %add3A_242 : vector<16xf32> to vector<1x16xf32>
        tpu.vector_store %arg9[%swap3A_243, %swap3A_244], %swap3A_247 {strides = array<i32>} : memref<400x48xf32, #tpu.memory_space<vmem>>, vector<1x16xf32>,
      }
      %scan3A_217 = arith.constant 400 : i32
      %mul3A_218 = arith.constant 400 : i32
      %mul3A_219 = arith.muli %scan3A_13, %mul3A_218 : i32
      %add3A_220 = arith.addi %add3A, %mul3A_219 : i32
      "tpu.region"() ({
        %run_scoped3A = tpu.sem_alloc : memref<!tpu.dma_semaphore, #tpu.memory_space<semaphore_mem>>
        %dma_start3A_221 = arith.constant 0 : i32
        %dma_start3A_222 = tpu.memref_slice %arg6[%add3A_220, %dma_start3A_221] : memref<320000x48xf32, #tpu.memory_space<hbm>> -> memref<400x48xf32, #tpu.memory_space<hbm>>
        %dma_start3A_223 = arith.constant 0 : i32
        %dma_start3A_224 = tpu.memref_slice %arg6[%add3A_220, %dma_start3A_223] : memref<320000x48xf32, #tpu.memory_space<hbm>> -> memref<400x48xf32, #tpu.memory_space<hbm>>
        tpu.enqueue_dma source(%arg9 : memref<400x48xf32, #tpu.memory_space<vmem>>) target(%dma_start3A_224 : memref<400x48xf32, #tpu.memory_space<hbm>>) target_semaphore(%run_scoped3A : memref<!tpu.dma_semaphore, #tpu.memory_space<semaphore_mem>>)
        %dma_wait3A_225 = arith.constant 0 : i32
        %dma_wait3A_226 = tpu.memref_slice %arg6[%add3A_220, %dma_wait3A_225] : memref<320000x48xf32, #tpu.memory_space<hbm>> -> memref<400x48xf32, #tpu.memory_space<hbm>>
        %dma_wait3A_227 = arith.constant 0 : i32
        %dma_wait3A_228 = tpu.memref_slice %arg6[%add3A_220, %dma_wait3A_227] : memref<320000x48xf32, #tpu.memory_space<hbm>> -> memref<400x48xf32, #tpu.memory_space<hbm>>
        tpu.wait_dma2 semaphore(%run_scoped3A : memref<!tpu.dma_semaphore, #tpu.memory_space<semaphore_mem>>) src(%arg9 : memref<400x48xf32, #tpu.memory_space<vmem>>) dst(%dma_wait3A_228 : memref<400x48xf32, #tpu.memory_space<hbm>>)
        tpu.yield
      }) : () -> ()
    }
    %scan3A_12 = arith.constant 25 : i32
    return
  }
}

#map = affine_map<(d0, d1) -> (0, 0)>
#map1 = affine_map<(d0, d1) -> (0, 0, 0)>
module attributes {stable_mosaic.version = 14 : i64} {
  func.func @_sc_scatter(%arg0: i32, %arg1: i32, %arg2: memref<2000x80xi32, #tpu.memory_space<hbm>>, %arg3: memref<2000x80xi32, #tpu.memory_space<hbm>>, %arg4: memref<320000x32xf32, #tpu.memory_space<hbm>>, %arg5: memref<625x32xf32, #tpu.memory_space<hbm>>, %arg6: memref<2x10000x32xf32, #tpu.memory_space<hbm>>, %arg7: memref<2x10000x32xf32, #tpu.memory_space<hbm>>, %arg8: memref<125x80xi32, #tpu.memory_space<vmem>>, %arg9: memref<125x80xi32, #tpu.memory_space<vmem>>, %arg10: memref<400x32xf32, #tpu.memory_space<vmem>>, %arg11: memref<10000x32xf32, #tpu.memory_space<vmem_shared>>, %arg12: memref<10000x32xf32, #tpu.memory_space<vmem_shared>>, %arg13: memref<!tpu.dma_semaphore, #tpu.memory_space<semaphore_mem>>) attributes {dimension_semantics = [#tpu.dimension_semantics<core_parallel>, #tpu.dimension_semantics<subcore_parallel>], iteration_bounds = array<i64: 2, 16>, scalar_prefetch = 0 : i64, scratch_operands = 6 : i64, tpu.core_type = #tpu.core_type<sc_vector_subcore>, window_params = [{transform_indices = #map}, {transform_indices = #map}, {transform_indices = #map}, {transform_indices = #map}, {transform_indices = #map1}, {transform_indices = #map1}]} {
    %mul3A = arith.constant 625 : i32
    %mul3A_0 = arith.muli %arg1, %mul3A : i32
    "tpu.region"() ({
      %run_scoped3A = tpu.sem_alloc : memref<!tpu.dma_semaphore, #tpu.memory_space<semaphore_mem>>
      %dma_start3A = arith.constant 0 : i32
      %dma_start3A_25 = tpu.memref_slice %arg11[%mul3A_0, %dma_start3A] : memref<10000x32xf32, #tpu.memory_space<vmem_shared>> -> memref<625x32xf32, #tpu.memory_space<vmem_shared>>
      tpu.enqueue_dma source(%arg5 : memref<625x32xf32, #tpu.memory_space<hbm>>) target(%dma_start3A_25 : memref<625x32xf32, #tpu.memory_space<vmem_shared>>) target_semaphore(%run_scoped3A : memref<!tpu.dma_semaphore, #tpu.memory_space<semaphore_mem>>)
      %dma_wait3A = arith.constant 0 : i32
      %dma_wait3A_26 = tpu.memref_slice %arg11[%mul3A_0, %dma_wait3A] : memref<10000x32xf32, #tpu.memory_space<vmem_shared>> -> memref<625x32xf32, #tpu.memory_space<vmem_shared>>
      tpu.wait_dma2 semaphore(%run_scoped3A : memref<!tpu.dma_semaphore, #tpu.memory_space<semaphore_mem>>) src(%arg5 : memref<625x32xf32, #tpu.memory_space<hbm>>) dst(%dma_wait3A_26 : memref<625x32xf32, #tpu.memory_space<vmem_shared>>)
      tpu.yield
    }) : () -> ()
    %mul3A_1 = arith.constant 625 : i32
    %mul3A_2 = arith.muli %arg1, %mul3A_1 : i32
    "tpu.region"() ({
      %run_scoped3A = tpu.sem_alloc : memref<!tpu.dma_semaphore, #tpu.memory_space<semaphore_mem>>
      %dma_start3A = arith.constant 0 : i32
      %dma_start3A_25 = tpu.memref_slice %arg12[%mul3A_2, %dma_start3A] : memref<10000x32xf32, #tpu.memory_space<vmem_shared>> -> memref<625x32xf32, #tpu.memory_space<vmem_shared>>
      tpu.enqueue_dma source(%arg5 : memref<625x32xf32, #tpu.memory_space<hbm>>) target(%dma_start3A_25 : memref<625x32xf32, #tpu.memory_space<vmem_shared>>) target_semaphore(%run_scoped3A : memref<!tpu.dma_semaphore, #tpu.memory_space<semaphore_mem>>)
      %dma_wait3A = arith.constant 0 : i32
      %dma_wait3A_26 = tpu.memref_slice %arg12[%mul3A_2, %dma_wait3A] : memref<10000x32xf32, #tpu.memory_space<vmem_shared>> -> memref<625x32xf32, #tpu.memory_space<vmem_shared>>
      tpu.wait_dma2 semaphore(%run_scoped3A : memref<!tpu.dma_semaphore, #tpu.memory_space<semaphore_mem>>) src(%arg5 : memref<625x32xf32, #tpu.memory_space<hbm>>) dst(%dma_wait3A_26 : memref<625x32xf32, #tpu.memory_space<vmem_shared>>)
      tpu.yield
    }) : () -> ()
    %mul3A_3 = arith.constant 125 : i32
    %mul3A_4 = arith.muli %arg1, %mul3A_3 : i32
    "tpu.region"() ({
      %run_scoped3A = tpu.sem_alloc : memref<!tpu.dma_semaphore, #tpu.memory_space<semaphore_mem>>
      %dma_start3A = arith.constant 0 : i32
      %dma_start3A_25 = tpu.memref_slice %arg2[%mul3A_4, %dma_start3A] : memref<2000x80xi32, #tpu.memory_space<hbm>> -> memref<125x80xi32, #tpu.memory_space<hbm>>
      %dma_start3A_26 = arith.constant 0 : i32
      %dma_start3A_27 = tpu.memref_slice %arg2[%mul3A_4, %dma_start3A_26] : memref<2000x80xi32, #tpu.memory_space<hbm>> -> memref<125x80xi32, #tpu.memory_space<hbm>>
      tpu.enqueue_dma source(%dma_start3A_27 : memref<125x80xi32, #tpu.memory_space<hbm>>) target(%arg8 : memref<125x80xi32, #tpu.memory_space<vmem>>) target_semaphore(%run_scoped3A : memref<!tpu.dma_semaphore, #tpu.memory_space<semaphore_mem>>)
      %dma_wait3A = arith.constant 0 : i32
      %dma_wait3A_28 = tpu.memref_slice %arg2[%mul3A_4, %dma_wait3A] : memref<2000x80xi32, #tpu.memory_space<hbm>> -> memref<125x80xi32, #tpu.memory_space<hbm>>
      %dma_wait3A_29 = arith.constant 0 : i32
      %dma_wait3A_30 = tpu.memref_slice %arg2[%mul3A_4, %dma_wait3A_29] : memref<2000x80xi32, #tpu.memory_space<hbm>> -> memref<125x80xi32, #tpu.memory_space<hbm>>
      tpu.wait_dma2 semaphore(%run_scoped3A : memref<!tpu.dma_semaphore, #tpu.memory_space<semaphore_mem>>) src(%dma_wait3A_30 : memref<125x80xi32, #tpu.memory_space<hbm>>) dst(%arg8 : memref<125x80xi32, #tpu.memory_space<vmem>>)
      tpu.yield
    }) : () -> ()
    %mul3A_5 = arith.constant 125 : i32
    %mul3A_6 = arith.muli %arg1, %mul3A_5 : i32
    "tpu.region"() ({
      %run_scoped3A = tpu.sem_alloc : memref<!tpu.dma_semaphore, #tpu.memory_space<semaphore_mem>>
      %dma_start3A = arith.constant 0 : i32
      %dma_start3A_25 = tpu.memref_slice %arg3[%mul3A_6, %dma_start3A] : memref<2000x80xi32, #tpu.memory_space<hbm>> -> memref<125x80xi32, #tpu.memory_space<hbm>>
      %dma_start3A_26 = arith.constant 0 : i32
      %dma_start3A_27 = tpu.memref_slice %arg3[%mul3A_6, %dma_start3A_26] : memref<2000x80xi32, #tpu.memory_space<hbm>> -> memref<125x80xi32, #tpu.memory_space<hbm>>
      tpu.enqueue_dma source(%dma_start3A_27 : memref<125x80xi32, #tpu.memory_space<hbm>>) target(%arg9 : memref<125x80xi32, #tpu.memory_space<vmem>>) target_semaphore(%run_scoped3A : memref<!tpu.dma_semaphore, #tpu.memory_space<semaphore_mem>>)
      %dma_wait3A = arith.constant 0 : i32
      %dma_wait3A_28 = tpu.memref_slice %arg3[%mul3A_6, %dma_wait3A] : memref<2000x80xi32, #tpu.memory_space<hbm>> -> memref<125x80xi32, #tpu.memory_space<hbm>>
      %dma_wait3A_29 = arith.constant 0 : i32
      %dma_wait3A_30 = tpu.memref_slice %arg3[%mul3A_6, %dma_wait3A_29] : memref<2000x80xi32, #tpu.memory_space<hbm>> -> memref<125x80xi32, #tpu.memory_space<hbm>>
      tpu.wait_dma2 semaphore(%run_scoped3A : memref<!tpu.dma_semaphore, #tpu.memory_space<semaphore_mem>>) src(%dma_wait3A_30 : memref<125x80xi32, #tpu.memory_space<hbm>>) dst(%arg9 : memref<125x80xi32, #tpu.memory_space<vmem>>)
      tpu.yield
    }) : () -> ()
    %barrier3A = arith.constant 0 : index
    tpu.barrier barrier_id(%barrier3A)
    %mul3A_7 = arith.constant 160000 : i32
    %mul3A_8 = arith.muli %arg0, %mul3A_7 : i32
    %mul3A_9 = arith.constant 10000 : i32
    %mul3A_10 = arith.muli %arg1, %mul3A_9 : i32
    %add3A = arith.addi %mul3A_8, %mul3A_10 : i32
    %scan3A = arith.constant 0 : i32
    %scan3A_11 = arith.constant 0 : i32
    %scan3A_12 = arith.constant 25 : i32
    %scan3A_13 = arith.addi %scan3A_11, %scan3A_12 : i32
    %scan3A_14 = arith.constant 1 : i32
    scf.for %scan3A_25 = %scan3A_11 to %scan3A_13 step %scan3A_14  : i32 {
      %mul3A_26 = arith.constant 400 : i32
      %mul3A_27 = arith.muli %scan3A_25, %mul3A_26 : i32
      %add3A_28 = arith.addi %add3A, %mul3A_27 : i32
      "tpu.region"() ({
        %run_scoped3A = tpu.sem_alloc : memref<!tpu.dma_semaphore, #tpu.memory_space<semaphore_mem>>
        %dma_start3A_227 = arith.constant 0 : i32
        %dma_start3A_228 = tpu.memref_slice %arg4[%add3A_28, %dma_start3A_227] : memref<320000x32xf32, #tpu.memory_space<hbm>> -> memref<400x32xf32, #tpu.memory_space<hbm>>
        %dma_start3A_229 = arith.constant 0 : i32
        %dma_start3A_230 = tpu.memref_slice %arg4[%add3A_28, %dma_start3A_229] : memref<320000x32xf32, #tpu.memory_space<hbm>> -> memref<400x32xf32, #tpu.memory_space<hbm>>
        tpu.enqueue_dma source(%dma_start3A_230 : memref<400x32xf32, #tpu.memory_space<hbm>>) target(%arg10 : memref<400x32xf32, #tpu.memory_space<vmem>>) target_semaphore(%run_scoped3A : memref<!tpu.dma_semaphore, #tpu.memory_space<semaphore_mem>>)
        %dma_wait3A_231 = arith.constant 0 : i32
        %dma_wait3A_232 = tpu.memref_slice %arg4[%add3A_28, %dma_wait3A_231] : memref<320000x32xf32, #tpu.memory_space<hbm>> -> memref<400x32xf32, #tpu.memory_space<hbm>>
        %dma_wait3A_233 = arith.constant 0 : i32
        %dma_wait3A_234 = tpu.memref_slice %arg4[%add3A_28, %dma_wait3A_233] : memref<320000x32xf32, #tpu.memory_space<hbm>> -> memref<400x32xf32, #tpu.memory_space<hbm>>
        tpu.wait_dma2 semaphore(%run_scoped3A : memref<!tpu.dma_semaphore, #tpu.memory_space<semaphore_mem>>) src(%dma_wait3A_234 : memref<400x32xf32, #tpu.memory_space<hbm>>) dst(%arg10 : memref<400x32xf32, #tpu.memory_space<vmem>>)
        tpu.yield
      }) : () -> ()
      %mul3A_29 = arith.constant 5 : i32
      %mul3A_30 = arith.muli %scan3A_25, %mul3A_29 : i32
      %add3A_31 = arith.constant 0 : i32
      %add3A_32 = arith.addi %mul3A_30, %add3A_31 : i32
      %dma_start3A = arith.constant 0 : i32
      %dma_start3A_33 = arith.constant 0 : i32
      %dma_start3A_34 = tpu.memref_slice %arg10[%dma_start3A, %dma_start3A_33] : memref<400x32xf32, #tpu.memory_space<vmem>> -> memref<80x32xf32, #tpu.memory_space<vmem>>
      %dma_start3A_35 = arith.constant 0 : i32
      %dma_start3A_36 = tpu.memref_slice %arg9[%add3A_32, %dma_start3A_35] : memref<125x80xi32, #tpu.memory_space<vmem>> -> memref<1x80xi32, #tpu.memory_space<vmem>>
      %dma_start3A_37 = tpu.memref_squeeze %dma_start3A_36 : memref<1x80xi32, #tpu.memory_space<vmem>> -> memref<80xi32, #tpu.memory_space<vmem>>
      %dma_start3A_38 = arith.constant 0 : i32
      %dma_start3A_39 = arith.constant 0 : i32
      %dma_start3A_40 = tpu.memref_slice %arg11[%dma_start3A_38, %dma_start3A_39] : memref<10000x32xf32, #tpu.memory_space<vmem_shared>> -> memref<10000x32xf32, #tpu.memory_space<vmem_shared>>
      tpu.enqueue_indirect_dma source(%dma_start3A_34 : memref<80x32xf32, #tpu.memory_space<vmem>>) target(%dma_start3A_40 : memref<10000x32xf32, #tpu.memory_space<vmem_shared>>) offsets(%dma_start3A_37 : memref<80xi32, #tpu.memory_space<vmem>>) semaphore(%arg13 : memref<!tpu.dma_semaphore, #tpu.memory_space<semaphore_mem>>) {add = true}
      %dma_start3A_41 = arith.constant 0 : i32
      %dma_start3A_42 = arith.constant 0 : i32
      %dma_start3A_43 = tpu.memref_slice %arg10[%dma_start3A_41, %dma_start3A_42] : memref<400x32xf32, #tpu.memory_space<vmem>> -> memref<80x32xf32, #tpu.memory_space<vmem>>
      %dma_start3A_44 = arith.constant 0 : i32
      %dma_start3A_45 = tpu.memref_slice %arg8[%add3A_32, %dma_start3A_44] : memref<125x80xi32, #tpu.memory_space<vmem>> -> memref<1x80xi32, #tpu.memory_space<vmem>>
      %dma_start3A_46 = tpu.memref_squeeze %dma_start3A_45 : memref<1x80xi32, #tpu.memory_space<vmem>> -> memref<80xi32, #tpu.memory_space<vmem>>
      %dma_start3A_47 = arith.constant 0 : i32
      %dma_start3A_48 = arith.constant 0 : i32
      %dma_start3A_49 = tpu.memref_slice %arg12[%dma_start3A_47, %dma_start3A_48] : memref<10000x32xf32, #tpu.memory_space<vmem_shared>> -> memref<10000x32xf32, #tpu.memory_space<vmem_shared>>
      tpu.enqueue_indirect_dma source(%dma_start3A_43 : memref<80x32xf32, #tpu.memory_space<vmem>>) target(%dma_start3A_49 : memref<10000x32xf32, #tpu.memory_space<vmem_shared>>) offsets(%dma_start3A_46 : memref<80xi32, #tpu.memory_space<vmem>>) semaphore(%arg13 : memref<!tpu.dma_semaphore, #tpu.memory_space<semaphore_mem>>) {add = true}
      %mul3A_50 = arith.constant 5 : i32
      %mul3A_51 = arith.muli %scan3A_25, %mul3A_50 : i32
      %add3A_52 = arith.constant 1 : i32
      %add3A_53 = arith.addi %mul3A_51, %add3A_52 : i32
      %dma_start3A_54 = arith.constant 80 : i32
      %dma_start3A_55 = arith.constant 0 : i32
      %dma_start3A_56 = tpu.memref_slice %arg10[%dma_start3A_54, %dma_start3A_55] : memref<400x32xf32, #tpu.memory_space<vmem>> -> memref<80x32xf32, #tpu.memory_space<vmem>>
      %dma_start3A_57 = arith.constant 0 : i32
      %dma_start3A_58 = tpu.memref_slice %arg9[%add3A_53, %dma_start3A_57] : memref<125x80xi32, #tpu.memory_space<vmem>> -> memref<1x80xi32, #tpu.memory_space<vmem>>
      %dma_start3A_59 = tpu.memref_squeeze %dma_start3A_58 : memref<1x80xi32, #tpu.memory_space<vmem>> -> memref<80xi32, #tpu.memory_space<vmem>>
      %dma_start3A_60 = arith.constant 0 : i32
      %dma_start3A_61 = arith.constant 0 : i32
      %dma_start3A_62 = tpu.memref_slice %arg11[%dma_start3A_60, %dma_start3A_61] : memref<10000x32xf32, #tpu.memory_space<vmem_shared>> -> memref<10000x32xf32, #tpu.memory_space<vmem_shared>>
      tpu.enqueue_indirect_dma source(%dma_start3A_56 : memref<80x32xf32, #tpu.memory_space<vmem>>) target(%dma_start3A_62 : memref<10000x32xf32, #tpu.memory_space<vmem_shared>>) offsets(%dma_start3A_59 : memref<80xi32, #tpu.memory_space<vmem>>) semaphore(%arg13 : memref<!tpu.dma_semaphore, #tpu.memory_space<semaphore_mem>>) {add = true}
      %dma_start3A_63 = arith.constant 80 : i32
      %dma_start3A_64 = arith.constant 0 : i32
      %dma_start3A_65 = tpu.memref_slice %arg10[%dma_start3A_63, %dma_start3A_64] : memref<400x32xf32, #tpu.memory_space<vmem>> -> memref<80x32xf32, #tpu.memory_space<vmem>>
      %dma_start3A_66 = arith.constant 0 : i32
      %dma_start3A_67 = tpu.memref_slice %arg8[%add3A_53, %dma_start3A_66] : memref<125x80xi32, #tpu.memory_space<vmem>> -> memref<1x80xi32, #tpu.memory_space<vmem>>
      %dma_start3A_68 = tpu.memref_squeeze %dma_start3A_67 : memref<1x80xi32, #tpu.memory_space<vmem>> -> memref<80xi32, #tpu.memory_space<vmem>>
      %dma_start3A_69 = arith.constant 0 : i32
      %dma_start3A_70 = arith.constant 0 : i32
      %dma_start3A_71 = tpu.memref_slice %arg12[%dma_start3A_69, %dma_start3A_70] : memref<10000x32xf32, #tpu.memory_space<vmem_shared>> -> memref<10000x32xf32, #tpu.memory_space<vmem_shared>>
      tpu.enqueue_indirect_dma source(%dma_start3A_65 : memref<80x32xf32, #tpu.memory_space<vmem>>) target(%dma_start3A_71 : memref<10000x32xf32, #tpu.memory_space<vmem_shared>>) offsets(%dma_start3A_68 : memref<80xi32, #tpu.memory_space<vmem>>) semaphore(%arg13 : memref<!tpu.dma_semaphore, #tpu.memory_space<semaphore_mem>>) {add = true}
      %mul3A_72 = arith.constant 5 : i32
      %mul3A_73 = arith.muli %scan3A_25, %mul3A_72 : i32
      %add3A_74 = arith.constant 2 : i32
      %add3A_75 = arith.addi %mul3A_73, %add3A_74 : i32
      %dma_start3A_76 = arith.constant 160 : i32
      %dma_start3A_77 = arith.constant 0 : i32
      %dma_start3A_78 = tpu.memref_slice %arg10[%dma_start3A_76, %dma_start3A_77] : memref<400x32xf32, #tpu.memory_space<vmem>> -> memref<80x32xf32, #tpu.memory_space<vmem>>
      %dma_start3A_79 = arith.constant 0 : i32
      %dma_start3A_80 = tpu.memref_slice %arg9[%add3A_75, %dma_start3A_79] : memref<125x80xi32, #tpu.memory_space<vmem>> -> memref<1x80xi32, #tpu.memory_space<vmem>>
      %dma_start3A_81 = tpu.memref_squeeze %dma_start3A_80 : memref<1x80xi32, #tpu.memory_space<vmem>> -> memref<80xi32, #tpu.memory_space<vmem>>
      %dma_start3A_82 = arith.constant 0 : i32
      %dma_start3A_83 = arith.constant 0 : i32
      %dma_start3A_84 = tpu.memref_slice %arg11[%dma_start3A_82, %dma_start3A_83] : memref<10000x32xf32, #tpu.memory_space<vmem_shared>> -> memref<10000x32xf32, #tpu.memory_space<vmem_shared>>
      tpu.enqueue_indirect_dma source(%dma_start3A_78 : memref<80x32xf32, #tpu.memory_space<vmem>>) target(%dma_start3A_84 : memref<10000x32xf32, #tpu.memory_space<vmem_shared>>) offsets(%dma_start3A_81 : memref<80xi32, #tpu.memory_space<vmem>>) semaphore(%arg13 : memref<!tpu.dma_semaphore, #tpu.memory_space<semaphore_mem>>) {add = true}
      %dma_start3A_85 = arith.constant 160 : i32
      %dma_start3A_86 = arith.constant 0 : i32
      %dma_start3A_87 = tpu.memref_slice %arg10[%dma_start3A_85, %dma_start3A_86] : memref<400x32xf32, #tpu.memory_space<vmem>> -> memref<80x32xf32, #tpu.memory_space<vmem>>
      %dma_start3A_88 = arith.constant 0 : i32
      %dma_start3A_89 = tpu.memref_slice %arg8[%add3A_75, %dma_start3A_88] : memref<125x80xi32, #tpu.memory_space<vmem>> -> memref<1x80xi32, #tpu.memory_space<vmem>>
      %dma_start3A_90 = tpu.memref_squeeze %dma_start3A_89 : memref<1x80xi32, #tpu.memory_space<vmem>> -> memref<80xi32, #tpu.memory_space<vmem>>
      %dma_start3A_91 = arith.constant 0 : i32
      %dma_start3A_92 = arith.constant 0 : i32
      %dma_start3A_93 = tpu.memref_slice %arg12[%dma_start3A_91, %dma_start3A_92] : memref<10000x32xf32, #tpu.memory_space<vmem_shared>> -> memref<10000x32xf32, #tpu.memory_space<vmem_shared>>
      tpu.enqueue_indirect_dma source(%dma_start3A_87 : memref<80x32xf32, #tpu.memory_space<vmem>>) target(%dma_start3A_93 : memref<10000x32xf32, #tpu.memory_space<vmem_shared>>) offsets(%dma_start3A_90 : memref<80xi32, #tpu.memory_space<vmem>>) semaphore(%arg13 : memref<!tpu.dma_semaphore, #tpu.memory_space<semaphore_mem>>) {add = true}
      %mul3A_94 = arith.constant 5 : i32
      %mul3A_95 = arith.muli %scan3A_25, %mul3A_94 : i32
      %add3A_96 = arith.constant 3 : i32
      %add3A_97 = arith.addi %mul3A_95, %add3A_96 : i32
      %dma_start3A_98 = arith.constant 240 : i32
      %dma_start3A_99 = arith.constant 0 : i32
      %dma_start3A_100 = tpu.memref_slice %arg10[%dma_start3A_98, %dma_start3A_99] : memref<400x32xf32, #tpu.memory_space<vmem>> -> memref<80x32xf32, #tpu.memory_space<vmem>>
      %dma_start3A_101 = arith.constant 0 : i32
      %dma_start3A_102 = tpu.memref_slice %arg9[%add3A_97, %dma_start3A_101] : memref<125x80xi32, #tpu.memory_space<vmem>> -> memref<1x80xi32, #tpu.memory_space<vmem>>
      %dma_start3A_103 = tpu.memref_squeeze %dma_start3A_102 : memref<1x80xi32, #tpu.memory_space<vmem>> -> memref<80xi32, #tpu.memory_space<vmem>>
      %dma_start3A_104 = arith.constant 0 : i32
      %dma_start3A_105 = arith.constant 0 : i32
      %dma_start3A_106 = tpu.memref_slice %arg11[%dma_start3A_104, %dma_start3A_105] : memref<10000x32xf32, #tpu.memory_space<vmem_shared>> -> memref<10000x32xf32, #tpu.memory_space<vmem_shared>>
      tpu.enqueue_indirect_dma source(%dma_start3A_100 : memref<80x32xf32, #tpu.memory_space<vmem>>) target(%dma_start3A_106 : memref<10000x32xf32, #tpu.memory_space<vmem_shared>>) offsets(%dma_start3A_103 : memref<80xi32, #tpu.memory_space<vmem>>) semaphore(%arg13 : memref<!tpu.dma_semaphore, #tpu.memory_space<semaphore_mem>>) {add = true}
      %dma_start3A_107 = arith.constant 240 : i32
      %dma_start3A_108 = arith.constant 0 : i32
      %dma_start3A_109 = tpu.memref_slice %arg10[%dma_start3A_107, %dma_start3A_108] : memref<400x32xf32, #tpu.memory_space<vmem>> -> memref<80x32xf32, #tpu.memory_space<vmem>>
      %dma_start3A_110 = arith.constant 0 : i32
      %dma_start3A_111 = tpu.memref_slice %arg8[%add3A_97, %dma_start3A_110] : memref<125x80xi32, #tpu.memory_space<vmem>> -> memref<1x80xi32, #tpu.memory_space<vmem>>
      %dma_start3A_112 = tpu.memref_squeeze %dma_start3A_111 : memref<1x80xi32, #tpu.memory_space<vmem>> -> memref<80xi32, #tpu.memory_space<vmem>>
      %dma_start3A_113 = arith.constant 0 : i32
      %dma_start3A_114 = arith.constant 0 : i32
      %dma_start3A_115 = tpu.memref_slice %arg12[%dma_start3A_113, %dma_start3A_114] : memref<10000x32xf32, #tpu.memory_space<vmem_shared>> -> memref<10000x32xf32, #tpu.memory_space<vmem_shared>>
      tpu.enqueue_indirect_dma source(%dma_start3A_109 : memref<80x32xf32, #tpu.memory_space<vmem>>) target(%dma_start3A_115 : memref<10000x32xf32, #tpu.memory_space<vmem_shared>>) offsets(%dma_start3A_112 : memref<80xi32, #tpu.memory_space<vmem>>) semaphore(%arg13 : memref<!tpu.dma_semaphore, #tpu.memory_space<semaphore_mem>>) {add = true}
      %mul3A_116 = arith.constant 5 : i32
      %mul3A_117 = arith.muli %scan3A_25, %mul3A_116 : i32
      %add3A_118 = arith.constant 4 : i32
      %add3A_119 = arith.addi %mul3A_117, %add3A_118 : i32
      %dma_start3A_120 = arith.constant 320 : i32
      %dma_start3A_121 = arith.constant 0 : i32
      %dma_start3A_122 = tpu.memref_slice %arg10[%dma_start3A_120, %dma_start3A_121] : memref<400x32xf32, #tpu.memory_space<vmem>> -> memref<80x32xf32, #tpu.memory_space<vmem>>
      %dma_start3A_123 = arith.constant 0 : i32
      %dma_start3A_124 = tpu.memref_slice %arg9[%add3A_119, %dma_start3A_123] : memref<125x80xi32, #tpu.memory_space<vmem>> -> memref<1x80xi32, #tpu.memory_space<vmem>>
      %dma_start3A_125 = tpu.memref_squeeze %dma_start3A_124 : memref<1x80xi32, #tpu.memory_space<vmem>> -> memref<80xi32, #tpu.memory_space<vmem>>
      %dma_start3A_126 = arith.constant 0 : i32
      %dma_start3A_127 = arith.constant 0 : i32
      %dma_start3A_128 = tpu.memref_slice %arg11[%dma_start3A_126, %dma_start3A_127] : memref<10000x32xf32, #tpu.memory_space<vmem_shared>> -> memref<10000x32xf32, #tpu.memory_space<vmem_shared>>
      tpu.enqueue_indirect_dma source(%dma_start3A_122 : memref<80x32xf32, #tpu.memory_space<vmem>>) target(%dma_start3A_128 : memref<10000x32xf32, #tpu.memory_space<vmem_shared>>) offsets(%dma_start3A_125 : memref<80xi32, #tpu.memory_space<vmem>>) semaphore(%arg13 : memref<!tpu.dma_semaphore, #tpu.memory_space<semaphore_mem>>) {add = true}
      %dma_start3A_129 = arith.constant 320 : i32
      %dma_start3A_130 = arith.constant 0 : i32
      %dma_start3A_131 = tpu.memref_slice %arg10[%dma_start3A_129, %dma_start3A_130] : memref<400x32xf32, #tpu.memory_space<vmem>> -> memref<80x32xf32, #tpu.memory_space<vmem>>
      %dma_start3A_132 = arith.constant 0 : i32
      %dma_start3A_133 = tpu.memref_slice %arg8[%add3A_119, %dma_start3A_132] : memref<125x80xi32, #tpu.memory_space<vmem>> -> memref<1x80xi32, #tpu.memory_space<vmem>>
      %dma_start3A_134 = tpu.memref_squeeze %dma_start3A_133 : memref<1x80xi32, #tpu.memory_space<vmem>> -> memref<80xi32, #tpu.memory_space<vmem>>
      %dma_start3A_135 = arith.constant 0 : i32
      %dma_start3A_136 = arith.constant 0 : i32
      %dma_start3A_137 = tpu.memref_slice %arg12[%dma_start3A_135, %dma_start3A_136] : memref<10000x32xf32, #tpu.memory_space<vmem_shared>> -> memref<10000x32xf32, #tpu.memory_space<vmem_shared>>
      tpu.enqueue_indirect_dma source(%dma_start3A_131 : memref<80x32xf32, #tpu.memory_space<vmem>>) target(%dma_start3A_137 : memref<10000x32xf32, #tpu.memory_space<vmem_shared>>) offsets(%dma_start3A_134 : memref<80xi32, #tpu.memory_space<vmem>>) semaphore(%arg13 : memref<!tpu.dma_semaphore, #tpu.memory_space<semaphore_mem>>) {add = true}
      %dma_wait3A = arith.constant 0 : i32
      %dma_wait3A_138 = arith.constant 0 : i32
      %dma_wait3A_139 = tpu.memref_slice %arg10[%dma_wait3A, %dma_wait3A_138] : memref<400x32xf32, #tpu.memory_space<vmem>> -> memref<80x32xf32, #tpu.memory_space<vmem>>
      %dma_wait3A_140 = arith.constant 0 : i32
      %dma_wait3A_141 = tpu.memref_slice %arg9[%add3A_32, %dma_wait3A_140] : memref<125x80xi32, #tpu.memory_space<vmem>> -> memref<1x80xi32, #tpu.memory_space<vmem>>
      %dma_wait3A_142 = tpu.memref_squeeze %dma_wait3A_141 : memref<1x80xi32, #tpu.memory_space<vmem>> -> memref<80xi32, #tpu.memory_space<vmem>>
      %dma_wait3A_143 = arith.constant 0 : i32
      %dma_wait3A_144 = arith.constant 0 : i32
      %dma_wait3A_145 = tpu.memref_slice %arg11[%dma_wait3A_143, %dma_wait3A_144] : memref<10000x32xf32, #tpu.memory_space<vmem_shared>> -> memref<10000x32xf32, #tpu.memory_space<vmem_shared>>
      tpu.wait_indirect_dma semaphore(%arg13 : memref<!tpu.dma_semaphore, #tpu.memory_space<semaphore_mem>>) src(%dma_wait3A_139 : memref<80x32xf32, #tpu.memory_space<vmem>>) dst(%dma_wait3A_145 : memref<10000x32xf32, #tpu.memory_space<vmem_shared>>)
      %dma_wait3A_146 = arith.constant 0 : i32
      %dma_wait3A_147 = arith.constant 0 : i32
      %dma_wait3A_148 = tpu.memref_slice %arg10[%dma_wait3A_146, %dma_wait3A_147] : memref<400x32xf32, #tpu.memory_space<vmem>> -> memref<80x32xf32, #tpu.memory_space<vmem>>
      %dma_wait3A_149 = arith.constant 0 : i32
      %dma_wait3A_150 = tpu.memref_slice %arg8[%add3A_32, %dma_wait3A_149] : memref<125x80xi32, #tpu.memory_space<vmem>> -> memref<1x80xi32, #tpu.memory_space<vmem>>
      %dma_wait3A_151 = tpu.memref_squeeze %dma_wait3A_150 : memref<1x80xi32, #tpu.memory_space<vmem>> -> memref<80xi32, #tpu.memory_space<vmem>>
      %dma_wait3A_152 = arith.constant 0 : i32
      %dma_wait3A_153 = arith.constant 0 : i32
      %dma_wait3A_154 = tpu.memref_slice %arg12[%dma_wait3A_152, %dma_wait3A_153] : memref<10000x32xf32, #tpu.memory_space<vmem_shared>> -> memref<10000x32xf32, #tpu.memory_space<vmem_shared>>
      tpu.wait_indirect_dma semaphore(%arg13 : memref<!tpu.dma_semaphore, #tpu.memory_space<semaphore_mem>>) src(%dma_wait3A_148 : memref<80x32xf32, #tpu.memory_space<vmem>>) dst(%dma_wait3A_154 : memref<10000x32xf32, #tpu.memory_space<vmem_shared>>)
      %dma_wait3A_155 = arith.constant 80 : i32
      %dma_wait3A_156 = arith.constant 0 : i32
      %dma_wait3A_157 = tpu.memref_slice %arg10[%dma_wait3A_155, %dma_wait3A_156] : memref<400x32xf32, #tpu.memory_space<vmem>> -> memref<80x32xf32, #tpu.memory_space<vmem>>
      %dma_wait3A_158 = arith.constant 0 : i32
      %dma_wait3A_159 = tpu.memref_slice %arg9[%add3A_53, %dma_wait3A_158] : memref<125x80xi32, #tpu.memory_space<vmem>> -> memref<1x80xi32, #tpu.memory_space<vmem>>
      %dma_wait3A_160 = tpu.memref_squeeze %dma_wait3A_159 : memref<1x80xi32, #tpu.memory_space<vmem>> -> memref<80xi32, #tpu.memory_space<vmem>>
      %dma_wait3A_161 = arith.constant 0 : i32
      %dma_wait3A_162 = arith.constant 0 : i32
      %dma_wait3A_163 = tpu.memref_slice %arg11[%dma_wait3A_161, %dma_wait3A_162] : memref<10000x32xf32, #tpu.memory_space<vmem_shared>> -> memref<10000x32xf32, #tpu.memory_space<vmem_shared>>
      tpu.wait_indirect_dma semaphore(%arg13 : memref<!tpu.dma_semaphore, #tpu.memory_space<semaphore_mem>>) src(%dma_wait3A_157 : memref<80x32xf32, #tpu.memory_space<vmem>>) dst(%dma_wait3A_163 : memref<10000x32xf32, #tpu.memory_space<vmem_shared>>)
      %dma_wait3A_164 = arith.constant 80 : i32
      %dma_wait3A_165 = arith.constant 0 : i32
      %dma_wait3A_166 = tpu.memref_slice %arg10[%dma_wait3A_164, %dma_wait3A_165] : memref<400x32xf32, #tpu.memory_space<vmem>> -> memref<80x32xf32, #tpu.memory_space<vmem>>
      %dma_wait3A_167 = arith.constant 0 : i32
      %dma_wait3A_168 = tpu.memref_slice %arg8[%add3A_53, %dma_wait3A_167] : memref<125x80xi32, #tpu.memory_space<vmem>> -> memref<1x80xi32, #tpu.memory_space<vmem>>
      %dma_wait3A_169 = tpu.memref_squeeze %dma_wait3A_168 : memref<1x80xi32, #tpu.memory_space<vmem>> -> memref<80xi32, #tpu.memory_space<vmem>>
      %dma_wait3A_170 = arith.constant 0 : i32
      %dma_wait3A_171 = arith.constant 0 : i32
      %dma_wait3A_172 = tpu.memref_slice %arg12[%dma_wait3A_170, %dma_wait3A_171] : memref<10000x32xf32, #tpu.memory_space<vmem_shared>> -> memref<10000x32xf32, #tpu.memory_space<vmem_shared>>
      tpu.wait_indirect_dma semaphore(%arg13 : memref<!tpu.dma_semaphore, #tpu.memory_space<semaphore_mem>>) src(%dma_wait3A_166 : memref<80x32xf32, #tpu.memory_space<vmem>>) dst(%dma_wait3A_172 : memref<10000x32xf32, #tpu.memory_space<vmem_shared>>)
      %dma_wait3A_173 = arith.constant 160 : i32
      %dma_wait3A_174 = arith.constant 0 : i32
      %dma_wait3A_175 = tpu.memref_slice %arg10[%dma_wait3A_173, %dma_wait3A_174] : memref<400x32xf32, #tpu.memory_space<vmem>> -> memref<80x32xf32, #tpu.memory_space<vmem>>
      %dma_wait3A_176 = arith.constant 0 : i32
      %dma_wait3A_177 = tpu.memref_slice %arg9[%add3A_75, %dma_wait3A_176] : memref<125x80xi32, #tpu.memory_space<vmem>> -> memref<1x80xi32, #tpu.memory_space<vmem>>
      %dma_wait3A_178 = tpu.memref_squeeze %dma_wait3A_177 : memref<1x80xi32, #tpu.memory_space<vmem>> -> memref<80xi32, #tpu.memory_space<vmem>>
      %dma_wait3A_179 = arith.constant 0 : i32
      %dma_wait3A_180 = arith.constant 0 : i32
      %dma_wait3A_181 = tpu.memref_slice %arg11[%dma_wait3A_179, %dma_wait3A_180] : memref<10000x32xf32, #tpu.memory_space<vmem_shared>> -> memref<10000x32xf32, #tpu.memory_space<vmem_shared>>
      tpu.wait_indirect_dma semaphore(%arg13 : memref<!tpu.dma_semaphore, #tpu.memory_space<semaphore_mem>>) src(%dma_wait3A_175 : memref<80x32xf32, #tpu.memory_space<vmem>>) dst(%dma_wait3A_181 : memref<10000x32xf32, #tpu.memory_space<vmem_shared>>)
      %dma_wait3A_182 = arith.constant 160 : i32
      %dma_wait3A_183 = arith.constant 0 : i32
      %dma_wait3A_184 = tpu.memref_slice %arg10[%dma_wait3A_182, %dma_wait3A_183] : memref<400x32xf32, #tpu.memory_space<vmem>> -> memref<80x32xf32, #tpu.memory_space<vmem>>
      %dma_wait3A_185 = arith.constant 0 : i32
      %dma_wait3A_186 = tpu.memref_slice %arg8[%add3A_75, %dma_wait3A_185] : memref<125x80xi32, #tpu.memory_space<vmem>> -> memref<1x80xi32, #tpu.memory_space<vmem>>
      %dma_wait3A_187 = tpu.memref_squeeze %dma_wait3A_186 : memref<1x80xi32, #tpu.memory_space<vmem>> -> memref<80xi32, #tpu.memory_space<vmem>>
      %dma_wait3A_188 = arith.constant 0 : i32
      %dma_wait3A_189 = arith.constant 0 : i32
      %dma_wait3A_190 = tpu.memref_slice %arg12[%dma_wait3A_188, %dma_wait3A_189] : memref<10000x32xf32, #tpu.memory_space<vmem_shared>> -> memref<10000x32xf32, #tpu.memory_space<vmem_shared>>
      tpu.wait_indirect_dma semaphore(%arg13 : memref<!tpu.dma_semaphore, #tpu.memory_space<semaphore_mem>>) src(%dma_wait3A_184 : memref<80x32xf32, #tpu.memory_space<vmem>>) dst(%dma_wait3A_190 : memref<10000x32xf32, #tpu.memory_space<vmem_shared>>)
      %dma_wait3A_191 = arith.constant 240 : i32
      %dma_wait3A_192 = arith.constant 0 : i32
      %dma_wait3A_193 = tpu.memref_slice %arg10[%dma_wait3A_191, %dma_wait3A_192] : memref<400x32xf32, #tpu.memory_space<vmem>> -> memref<80x32xf32, #tpu.memory_space<vmem>>
      %dma_wait3A_194 = arith.constant 0 : i32
      %dma_wait3A_195 = tpu.memref_slice %arg9[%add3A_97, %dma_wait3A_194] : memref<125x80xi32, #tpu.memory_space<vmem>> -> memref<1x80xi32, #tpu.memory_space<vmem>>
      %dma_wait3A_196 = tpu.memref_squeeze %dma_wait3A_195 : memref<1x80xi32, #tpu.memory_space<vmem>> -> memref<80xi32, #tpu.memory_space<vmem>>
      %dma_wait3A_197 = arith.constant 0 : i32
      %dma_wait3A_198 = arith.constant 0 : i32
      %dma_wait3A_199 = tpu.memref_slice %arg11[%dma_wait3A_197, %dma_wait3A_198] : memref<10000x32xf32, #tpu.memory_space<vmem_shared>> -> memref<10000x32xf32, #tpu.memory_space<vmem_shared>>
      tpu.wait_indirect_dma semaphore(%arg13 : memref<!tpu.dma_semaphore, #tpu.memory_space<semaphore_mem>>) src(%dma_wait3A_193 : memref<80x32xf32, #tpu.memory_space<vmem>>) dst(%dma_wait3A_199 : memref<10000x32xf32, #tpu.memory_space<vmem_shared>>)
      %dma_wait3A_200 = arith.constant 240 : i32
      %dma_wait3A_201 = arith.constant 0 : i32
      %dma_wait3A_202 = tpu.memref_slice %arg10[%dma_wait3A_200, %dma_wait3A_201] : memref<400x32xf32, #tpu.memory_space<vmem>> -> memref<80x32xf32, #tpu.memory_space<vmem>>
      %dma_wait3A_203 = arith.constant 0 : i32
      %dma_wait3A_204 = tpu.memref_slice %arg8[%add3A_97, %dma_wait3A_203] : memref<125x80xi32, #tpu.memory_space<vmem>> -> memref<1x80xi32, #tpu.memory_space<vmem>>
      %dma_wait3A_205 = tpu.memref_squeeze %dma_wait3A_204 : memref<1x80xi32, #tpu.memory_space<vmem>> -> memref<80xi32, #tpu.memory_space<vmem>>
      %dma_wait3A_206 = arith.constant 0 : i32
      %dma_wait3A_207 = arith.constant 0 : i32
      %dma_wait3A_208 = tpu.memref_slice %arg12[%dma_wait3A_206, %dma_wait3A_207] : memref<10000x32xf32, #tpu.memory_space<vmem_shared>> -> memref<10000x32xf32, #tpu.memory_space<vmem_shared>>
      tpu.wait_indirect_dma semaphore(%arg13 : memref<!tpu.dma_semaphore, #tpu.memory_space<semaphore_mem>>) src(%dma_wait3A_202 : memref<80x32xf32, #tpu.memory_space<vmem>>) dst(%dma_wait3A_208 : memref<10000x32xf32, #tpu.memory_space<vmem_shared>>)
      %dma_wait3A_209 = arith.constant 320 : i32
      %dma_wait3A_210 = arith.constant 0 : i32
      %dma_wait3A_211 = tpu.memref_slice %arg10[%dma_wait3A_209, %dma_wait3A_210] : memref<400x32xf32, #tpu.memory_space<vmem>> -> memref<80x32xf32, #tpu.memory_space<vmem>>
      %dma_wait3A_212 = arith.constant 0 : i32
      %dma_wait3A_213 = tpu.memref_slice %arg9[%add3A_119, %dma_wait3A_212] : memref<125x80xi32, #tpu.memory_space<vmem>> -> memref<1x80xi32, #tpu.memory_space<vmem>>
      %dma_wait3A_214 = tpu.memref_squeeze %dma_wait3A_213 : memref<1x80xi32, #tpu.memory_space<vmem>> -> memref<80xi32, #tpu.memory_space<vmem>>
      %dma_wait3A_215 = arith.constant 0 : i32
      %dma_wait3A_216 = arith.constant 0 : i32
      %dma_wait3A_217 = tpu.memref_slice %arg11[%dma_wait3A_215, %dma_wait3A_216] : memref<10000x32xf32, #tpu.memory_space<vmem_shared>> -> memref<10000x32xf32, #tpu.memory_space<vmem_shared>>
      tpu.wait_indirect_dma semaphore(%arg13 : memref<!tpu.dma_semaphore, #tpu.memory_space<semaphore_mem>>) src(%dma_wait3A_211 : memref<80x32xf32, #tpu.memory_space<vmem>>) dst(%dma_wait3A_217 : memref<10000x32xf32, #tpu.memory_space<vmem_shared>>)
      %dma_wait3A_218 = arith.constant 320 : i32
      %dma_wait3A_219 = arith.constant 0 : i32
      %dma_wait3A_220 = tpu.memref_slice %arg10[%dma_wait3A_218, %dma_wait3A_219] : memref<400x32xf32, #tpu.memory_space<vmem>> -> memref<80x32xf32, #tpu.memory_space<vmem>>
      %dma_wait3A_221 = arith.constant 0 : i32
      %dma_wait3A_222 = tpu.memref_slice %arg8[%add3A_119, %dma_wait3A_221] : memref<125x80xi32, #tpu.memory_space<vmem>> -> memref<1x80xi32, #tpu.memory_space<vmem>>
      %dma_wait3A_223 = tpu.memref_squeeze %dma_wait3A_222 : memref<1x80xi32, #tpu.memory_space<vmem>> -> memref<80xi32, #tpu.memory_space<vmem>>
      %dma_wait3A_224 = arith.constant 0 : i32
      %dma_wait3A_225 = arith.constant 0 : i32
      %dma_wait3A_226 = tpu.memref_slice %arg12[%dma_wait3A_224, %dma_wait3A_225] : memref<10000x32xf32, #tpu.memory_space<vmem_shared>> -> memref<10000x32xf32, #tpu.memory_space<vmem_shared>>
      tpu.wait_indirect_dma semaphore(%arg13 : memref<!tpu.dma_semaphore, #tpu.memory_space<semaphore_mem>>) src(%dma_wait3A_220 : memref<80x32xf32, #tpu.memory_space<vmem>>) dst(%dma_wait3A_226 : memref<10000x32xf32, #tpu.memory_space<vmem_shared>>)
    }
    %scan3A_15 = arith.constant 25 : i32
    %barrier3A_16 = arith.constant 0 : index
    tpu.barrier barrier_id(%barrier3A_16)
    %mul3A_17 = arith.constant 625 : i32
    %mul3A_18 = arith.muli %arg1, %mul3A_17 : i32
    %mul3A_19 = arith.constant 625 : i32
    %mul3A_20 = arith.muli %arg1, %mul3A_19 : i32
    "tpu.region"() ({
      %run_scoped3A = tpu.sem_alloc : memref<!tpu.dma_semaphore, #tpu.memory_space<semaphore_mem>>
      %dma_start3A = arith.constant 0 : i32
      %dma_start3A_25 = tpu.memref_slice %arg6[%arg0, %mul3A_20, %dma_start3A] : memref<2x10000x32xf32, #tpu.memory_space<hbm>> -> memref<1x625x32xf32, #tpu.memory_space<hbm>>
      %dma_start3A_26 = tpu.memref_squeeze %dma_start3A_25 : memref<1x625x32xf32, #tpu.memory_space<hbm>> -> memref<625x32xf32, #tpu.memory_space<hbm>>
      %dma_start3A_27 = arith.constant 0 : i32
      %dma_start3A_28 = tpu.memref_slice %arg11[%mul3A_18, %dma_start3A_27] : memref<10000x32xf32, #tpu.memory_space<vmem_shared>> -> memref<625x32xf32, #tpu.memory_space<vmem_shared>>
      tpu.enqueue_dma source(%dma_start3A_28 : memref<625x32xf32, #tpu.memory_space<vmem_shared>>) target(%dma_start3A_26 : memref<625x32xf32, #tpu.memory_space<hbm>>) target_semaphore(%run_scoped3A : memref<!tpu.dma_semaphore, #tpu.memory_space<semaphore_mem>>)
      %dma_wait3A = arith.constant 0 : i32
      %dma_wait3A_29 = tpu.memref_slice %arg6[%arg0, %mul3A_20, %dma_wait3A] : memref<2x10000x32xf32, #tpu.memory_space<hbm>> -> memref<1x625x32xf32, #tpu.memory_space<hbm>>
      %dma_wait3A_30 = tpu.memref_squeeze %dma_wait3A_29 : memref<1x625x32xf32, #tpu.memory_space<hbm>> -> memref<625x32xf32, #tpu.memory_space<hbm>>
      %dma_wait3A_31 = arith.constant 0 : i32
      %dma_wait3A_32 = tpu.memref_slice %arg11[%mul3A_18, %dma_wait3A_31] : memref<10000x32xf32, #tpu.memory_space<vmem_shared>> -> memref<625x32xf32, #tpu.memory_space<vmem_shared>>
      tpu.wait_dma2 semaphore(%run_scoped3A : memref<!tpu.dma_semaphore, #tpu.memory_space<semaphore_mem>>) src(%dma_wait3A_32 : memref<625x32xf32, #tpu.memory_space<vmem_shared>>) dst(%dma_wait3A_30 : memref<625x32xf32, #tpu.memory_space<hbm>>)
      tpu.yield
    }) : () -> ()
    %mul3A_21 = arith.constant 625 : i32
    %mul3A_22 = arith.muli %arg1, %mul3A_21 : i32
    %mul3A_23 = arith.constant 625 : i32
    %mul3A_24 = arith.muli %arg1, %mul3A_23 : i32
    "tpu.region"() ({
      %run_scoped3A = tpu.sem_alloc : memref<!tpu.dma_semaphore, #tpu.memory_space<semaphore_mem>>
      %dma_start3A = arith.constant 0 : i32
      %dma_start3A_25 = tpu.memref_slice %arg7[%arg0, %mul3A_24, %dma_start3A] : memref<2x10000x32xf32, #tpu.memory_space<hbm>> -> memref<1x625x32xf32, #tpu.memory_space<hbm>>
      %dma_start3A_26 = tpu.memref_squeeze %dma_start3A_25 : memref<1x625x32xf32, #tpu.memory_space<hbm>> -> memref<625x32xf32, #tpu.memory_space<hbm>>
      %dma_start3A_27 = arith.constant 0 : i32
      %dma_start3A_28 = tpu.memref_slice %arg12[%mul3A_22, %dma_start3A_27] : memref<10000x32xf32, #tpu.memory_space<vmem_shared>> -> memref<625x32xf32, #tpu.memory_space<vmem_shared>>
      tpu.enqueue_dma source(%dma_start3A_28 : memref<625x32xf32, #tpu.memory_space<vmem_shared>>) target(%dma_start3A_26 : memref<625x32xf32, #tpu.memory_space<hbm>>) target_semaphore(%run_scoped3A : memref<!tpu.dma_semaphore, #tpu.memory_space<semaphore_mem>>)
      %dma_wait3A = arith.constant 0 : i32
      %dma_wait3A_29 = tpu.memref_slice %arg7[%arg0, %mul3A_24, %dma_wait3A] : memref<2x10000x32xf32, #tpu.memory_space<hbm>> -> memref<1x625x32xf32, #tpu.memory_space<hbm>>
      %dma_wait3A_30 = tpu.memref_squeeze %dma_wait3A_29 : memref<1x625x32xf32, #tpu.memory_space<hbm>> -> memref<625x32xf32, #tpu.memory_space<hbm>>
      %dma_wait3A_31 = arith.constant 0 : i32
      %dma_wait3A_32 = tpu.memref_slice %arg12[%mul3A_22, %dma_wait3A_31] : memref<10000x32xf32, #tpu.memory_space<vmem_shared>> -> memref<625x32xf32, #tpu.memory_space<vmem_shared>>
      tpu.wait_dma2 semaphore(%run_scoped3A : memref<!tpu.dma_semaphore, #tpu.memory_space<semaphore_mem>>) src(%dma_wait3A_32 : memref<625x32xf32, #tpu.memory_space<vmem_shared>>) dst(%dma_wait3A_30 : memref<625x32xf32, #tpu.memory_space<hbm>>)
      tpu.yield
    }) : () -> ()
    return
  }
}

module attributes {stable_mosaic.version = 14 : i64} {
  func.func @_tables_body(%arg0: i32, %arg1: memref<1000x128xf32, #tpu.memory_space<vmem>>, %arg2: memref<128x32xf32, #tpu.memory_space<vmem>>, %arg3: memref<128x32xf32, #tpu.memory_space<vmem>>, %arg4: memref<1000x48xf32, #tpu.memory_space<vmem>>, %arg5: memref<1000x32xf32, #tpu.memory_space<vmem>>) attributes {dimension_semantics = [#tpu.dimension_semantics<arbitrary>], iteration_bounds = array<i64: 20>, scalar_prefetch = 0 : i64, scratch_operands = 0 : i64, tpu.core_type = #tpu.core_type<tc>, window_params = [{transform_indices = @transform_0, window_bounds = array<i64: 1000, 128>}, {pipeline_mode = #tpu.pipeline_mode<synchronous>, transform_indices = @transform_1, window_bounds = array<i64: 128, 32>}, {pipeline_mode = #tpu.pipeline_mode<synchronous>, transform_indices = @transform_2, window_bounds = array<i64: 128, 32>}, {transform_indices = @transform_3, window_bounds = array<i64: 1000, 48>}, {transform_indices = @transform_4, window_bounds = array<i64: 1000, 32>}]} {
    %get3A = arith.constant 0 : index
    %get3A_0 = arith.constant 0 : index
    %get3A_1 = vector.load %arg1[%get3A, %get3A_0] : memref<1000x128xf32, #tpu.memory_space<vmem>>, vector<1000x128xf32>
    %get3A_2 = arith.constant 0 : index
    %get3A_3 = arith.constant 0 : index
    %get3A_4 = vector.load %arg2[%get3A_2, %get3A_3] : memref<128x32xf32, #tpu.memory_space<vmem>>, vector<128x32xf32>
    %dot_general3A = arith.constant dense<0.000000e+00> : vector<1000x32xf32>
    %dot_general3A_5 = tpu.matmul %get3A_1, %get3A_4, %dot_general3A {dimension_numbers = #tpu.dot_dimension_numbers<[1], [0], [0], [1], [0, 0, 1, 1], [], []>, transpose_lhs_hint = false} : vector<1000x128xf32>, vector<128x32xf32>, vector<1000x32xf32> -> vector<1000x32xf32>
    %get3A_6 = arith.constant 0 : index
    %get3A_7 = arith.constant 0 : index
    %get3A_8 = vector.load %arg3[%get3A_6, %get3A_7] : memref<128x32xf32, #tpu.memory_space<vmem>>, vector<128x32xf32>
    %dot_general3A_9 = arith.constant dense<0.000000e+00> : vector<1000x32xf32>
    %dot_general3A_10 = tpu.matmul %get3A_1, %get3A_8, %dot_general3A_9 {dimension_numbers = #tpu.dot_dimension_numbers<[1], [0], [0], [1], [0, 0, 1, 1], [], []>, transpose_lhs_hint = false} : vector<1000x128xf32>, vector<128x32xf32>, vector<1000x32xf32> -> vector<1000x32xf32>
    %slice3A = vector.extract_strided_slice %get3A_1 {offsets = [0, 126], sizes = [1000, 1], strides = [1, 1]} : vector<1000x128xf32> to vector<1000x1xf32>
    %mul3A = arith.constant 2.000000e+00 : f32
    %mul3A_11 = vector.broadcast %mul3A : f32 to vector<1000x1xf32>
    %mul3A_12 = arith.mulf %slice3A, %mul3A_11 : vector<1000x1xf32>
    %add3A = arith.constant 3.000000e+00 : f32
    %add3A_13 = vector.broadcast %add3A : f32 to vector<1000x1xf32>
    %add3A_14 = arith.addf %mul3A_12, %add3A_13 : vector<1000x1xf32>
    %max3A = arith.constant 0.000000e+00 : f32
    %max3A_15 = vector.broadcast %max3A : f32 to vector<1000x1xf32>
    %max3A_16 = arith.maximumf %add3A_14, %max3A_15 : vector<1000x1xf32>
    %slice3A_17 = vector.extract_strided_slice %get3A_1 {offsets = [0, 127], sizes = [1000, 1], strides = [1, 1]} : vector<1000x128xf32> to vector<1000x1xf32>
    %mul3A_18 = arith.constant 9.000000e+01 : f32
    %mul3A_19 = vector.broadcast %mul3A_18 : f32 to vector<1000x1xf32>
    %mul3A_20 = arith.mulf %slice3A_17, %mul3A_19 : vector<1000x1xf32>
    %add3A_21 = arith.constant 1.800000e+02 : f32
    %add3A_22 = vector.broadcast %add3A_21 : f32 to vector<1000x1xf32>
    %add3A_23 = arith.addf %mul3A_20, %add3A_22 : vector<1000x1xf32>
    %mul3A_24 = arith.constant 0.0174532924 : f32
    %mul3A_25 = vector.broadcast %mul3A_24 : f32 to vector<1000x1xf32>
    %mul3A_26 = arith.mulf %add3A_23, %mul3A_25 : vector<1000x1xf32>
    %cos3A = math.cos %mul3A_26 : vector<1000x1xf32>
    %mul3A_27 = arith.mulf %max3A_16, %cos3A : vector<1000x1xf32>
    %sin3A = math.sin %mul3A_26 : vector<1000x1xf32>
    %mul3A_28 = arith.mulf %max3A_16, %sin3A : vector<1000x1xf32>
    %broadcast_in_dim3A = arith.constant 0.000000e+00 : f32
    %broadcast_in_dim3A_29 = vector.broadcast %broadcast_in_dim3A : f32 to vector<1000x14xf32>
    %concatenate3A = tpu.concatenate %dot_general3A_5, %mul3A_27, %mul3A_28, %broadcast_in_dim3A_29 in 1 : vector<1000x32xf32>, vector<1000x1xf32>, vector<1000x1xf32>, vector<1000x14xf32> -> vector<1000x48xf32>
    %swap3A = arith.constant 0 : index
    %swap3A_30 = arith.constant 0 : index
    %swap3A_31 = vector.load %arg4[%swap3A, %swap3A_30] : memref<1000x48xf32, #tpu.memory_space<vmem>>, vector<1000x48xf32>
    tpu.vector_store %arg4[%swap3A, %swap3A_30], %concatenate3A {strides = array<i32>} : memref<1000x48xf32, #tpu.memory_space<vmem>>, vector<1000x48xf32>,
    %swap3A_32 = arith.constant 0 : index
    %swap3A_33 = arith.constant 0 : index
    %swap3A_34 = vector.load %arg5[%swap3A_32, %swap3A_33] : memref<1000x32xf32, #tpu.memory_space<vmem>>, vector<1000x32xf32>
    tpu.vector_store %arg5[%swap3A_32, %swap3A_33], %dot_general3A_10 {strides = array<i32>} : memref<1000x32xf32, #tpu.memory_space<vmem>>, vector<1000x32xf32>,
    return
  }
  func.func @transform_0(%arg0: i32) -> (i32, i32) {
    %c0_i32 = arith.constant 0 : i32
    %c0_i32_0 = arith.constant 0 : i32
    return %arg0, %c0_i32 : i32, i32
  }
  func.func @transform_1(%arg0: i32) -> (i32, i32) {
    %c0_i32 = arith.constant 0 : i32
    %c0_i32_0 = arith.constant 0 : i32
    %c0_i32_1 = arith.constant 0 : i32
    return %c0_i32, %c0_i32_0 : i32, i32
  }
  func.func @transform_2(%arg0: i32) -> (i32, i32) {
    %c0_i32 = arith.constant 0 : i32
    %c0_i32_0 = arith.constant 0 : i32
    %c0_i32_1 = arith.constant 0 : i32
    return %c0_i32, %c0_i32_0 : i32, i32
  }
  func.func @transform_3(%arg0: i32) -> (i32, i32) {
    %c0_i32 = arith.constant 0 : i32
    %c0_i32_0 = arith.constant 0 : i32
    return %arg0, %c0_i32 : i32, i32
  }
  func.func @transform_4(%arg0: i32) -> (i32, i32) {
    %c0_i32 = arith.constant 0 : i32
    %c0_i32_0 = arith.constant 0 : i32
    return %arg0, %c0_i32 : i32, i32
  }
}

module attributes {stable_mosaic.version = 14 : i64} {
  func.func @_stats_body(%arg0: memref<2500x128xf32, #tpu.memory_space<vmem>>, %arg1: memref<2x2xf32, #tpu.memory_space<vmem>>) attributes {dimension_semantics = [], scalar_prefetch = 0 : i64, scratch_operands = 0 : i64, tpu.core_type = #tpu.core_type<tc>} {
    %get3A = arith.constant 0 : index
    %get3A_0 = arith.constant 0 : index
    %get3A_1 = vector.load %arg0[%get3A, %get3A_0] : memref<2500x128xf32, #tpu.memory_space<vmem>>, vector<2500x128xf32>
    %reduce_sum3A = arith.constant dense<0.000000e+00> : vector<128xf32>
    %reduce_sum3A_2 = vector.multi_reduction <add>, %get3A_1, %reduce_sum3A [0] : vector<2500x128xf32> to vector<128xf32>
    %broadcast_in_dim3A = vector.shape_cast %reduce_sum3A_2 : vector<128xf32> to vector<1x128xf32>
    %mul3A = arith.mulf %get3A_1, %get3A_1 : vector<2500x128xf32>
    %reduce_sum3A_3 = arith.constant dense<0.000000e+00> : vector<128xf32>
    %reduce_sum3A_4 = vector.multi_reduction <add>, %mul3A, %reduce_sum3A_3 [0] : vector<2500x128xf32> to vector<128xf32>
    %broadcast_in_dim3A_5 = vector.shape_cast %reduce_sum3A_4 : vector<128xf32> to vector<1x128xf32>
    %iota3A = tpu.iota {dimensions = array<i32: 1>} : vector<1x128xi32>
    %jit3A = arith.constant 2 : i32
    %eq3A = arith.constant 0 : i32
    %eq3A_6 = arith.cmpi eq, %jit3A, %eq3A : i32
    %jit3A_7 = arith.constant 1 : i32
    %select_n3A = arith.select %eq3A_6, %jit3A_7, %jit3A : i32
    %rem3A = vector.broadcast %select_n3A : i32 to vector<1x128xi32>
    %rem3A_8 = arith.remsi %iota3A, %rem3A : vector<1x128xi32>
    %ne3A = arith.constant 0 : i32
    %ne3A_9 = vector.broadcast %ne3A : i32 to vector<1x128xi32>
    %ne3A_10 = arith.cmpi ne, %rem3A_8, %ne3A_9 : vector<1x128xi32>
    %lt3A = arith.constant 0 : i32
    %lt3A_11 = vector.broadcast %lt3A : i32 to vector<1x128xi32>
    %lt3A_12 = arith.cmpi slt, %rem3A_8, %lt3A_11 : vector<1x128xi32>
    %lt3A_13 = arith.constant 0 : i32
    %lt3A_14 = arith.cmpi slt, %select_n3A, %lt3A_13 : i32
    %ne3A_15 = vector.broadcast %lt3A_14 : i1 to vector<1x128xi1>
    %ne3A_16 = vector.broadcast %ne3A_15 : vector<1x128xi1> to vector<1x128xi1>
    %ne3A_17 = arith.xori %lt3A_12, %ne3A_16 : vector<1x128xi1>
    %and3A = arith.andi %ne3A_17, %ne3A_10 : vector<1x128xi1>
    %add3A = vector.broadcast %select_n3A : i32 to vector<1x128xi32>
    %add3A_18 = arith.addi %rem3A_8, %add3A : vector<1x128xi32>
    %select_n3A_19 = arith.select %and3A, %add3A_18, %rem3A_8 : vector<1x128xi1>, vector<1x128xi32>
    %eq3A_20 = arith.constant 0 : i32
    %eq3A_21 = vector.broadcast %eq3A_20 : i32 to vector<1x128xi32>
    %eq3A_22 = arith.cmpi eq, %select_n3A_19, %eq3A_21 : vector<1x128xi32>
    %jit3A_23 = arith.constant 0.000000e+00 : f32
    %broadcast_in_dim3A_24 = vector.broadcast %jit3A_23 : f32 to vector<1x128xf32>
    %select_n3A_25 = arith.select %eq3A_22, %broadcast_in_dim3A, %broadcast_in_dim3A_24 : vector<1x128xi1>, vector<1x128xf32>
    %reduce_sum3A_26 = vector.shape_cast %select_n3A_25 : vector<1x128xf32> to vector<1x1x128xf32>
    %reduce_sum3A_27 = arith.constant dense<0.000000e+00> : vector<1xf32>
    %reduce_sum3A_28 = vector.multi_reduction <add>, %reduce_sum3A_26, %reduce_sum3A_27 [1, 2] : vector<1x1x128xf32> to vector<1xf32>
    %reduce_sum3A_29 = vector.shape_cast %reduce_sum3A_28 : vector<1xf32> to vector<1x1x1xf32>
    %reduce_sum3A_30 = vector.extract %reduce_sum3A_29[0, 0, 0] : f32 from vector<1x1x1xf32>
    %jit3A_31 = arith.constant 0.000000e+00 : f32
    %broadcast_in_dim3A_32 = vector.broadcast %jit3A_31 : f32 to vector<1x128xf32>
    %select_n3A_33 = arith.select %eq3A_22, %broadcast_in_dim3A_32, %broadcast_in_dim3A : vector<1x128xi1>, vector<1x128xf32>
    %reduce_sum3A_34 = vector.shape_cast %select_n3A_33 : vector<1x128xf32> to vector<1x1x128xf32>
    %reduce_sum3A_35 = arith.constant dense<0.000000e+00> : vector<1xf32>
    %reduce_sum3A_36 = vector.multi_reduction <add>, %reduce_sum3A_34, %reduce_sum3A_35 [1, 2] : vector<1x1x128xf32> to vector<1xf32>
    %reduce_sum3A_37 = vector.shape_cast %reduce_sum3A_36 : vector<1xf32> to vector<1x1x1xf32>
    %reduce_sum3A_38 = vector.extract %reduce_sum3A_37[0, 0, 0] : f32 from vector<1x1x1xf32>
    %jit3A_39 = arith.constant 0.000000e+00 : f32
    %broadcast_in_dim3A_40 = vector.broadcast %jit3A_39 : f32 to vector<1x128xf32>
    %select_n3A_41 = arith.select %eq3A_22, %broadcast_in_dim3A_5, %broadcast_in_dim3A_40 : vector<1x128xi1>, vector<1x128xf32>
    %reduce_sum3A_42 = vector.shape_cast %select_n3A_41 : vector<1x128xf32> to vector<1x1x128xf32>
    %reduce_sum3A_43 = arith.constant dense<0.000000e+00> : vector<1xf32>
    %reduce_sum3A_44 = vector.multi_reduction <add>, %reduce_sum3A_42, %reduce_sum3A_43 [1, 2] : vector<1x1x128xf32> to vector<1xf32>
    %reduce_sum3A_45 = vector.shape_cast %reduce_sum3A_44 : vector<1xf32> to vector<1x1x1xf32>
    %reduce_sum3A_46 = vector.extract %reduce_sum3A_45[0, 0, 0] : f32 from vector<1x1x1xf32>
    %jit3A_47 = arith.constant 0.000000e+00 : f32
    %broadcast_in_dim3A_48 = vector.broadcast %jit3A_47 : f32 to vector<1x128xf32>
    %select_n3A_49 = arith.select %eq3A_22, %broadcast_in_dim3A_48, %broadcast_in_dim3A_5 : vector<1x128xi1>, vector<1x128xf32>
    %reduce_sum3A_50 = vector.shape_cast %select_n3A_49 : vector<1x128xf32> to vector<1x1x128xf32>
    %reduce_sum3A_51 = arith.constant dense<0.000000e+00> : vector<1xf32>
    %reduce_sum3A_52 = vector.multi_reduction <add>, %reduce_sum3A_50, %reduce_sum3A_51 [1, 2] : vector<1x1x128xf32> to vector<1xf32>
    %reduce_sum3A_53 = vector.shape_cast %reduce_sum3A_52 : vector<1xf32> to vector<1x1x1xf32>
    %reduce_sum3A_54 = vector.extract %reduce_sum3A_53[0, 0, 0] : f32 from vector<1x1x1xf32>
    %div3A = arith.constant 1.600000e+05 : f32
    %div3A_55 = arith.divf %reduce_sum3A_30, %div3A : f32
    %div3A_56 = arith.constant 1.600000e+05 : f32
    %div3A_57 = arith.divf %reduce_sum3A_38, %div3A_56 : f32
    %mul3A_58 = arith.constant 1.600000e+05 : f32
    %mul3A_59 = arith.mulf %mul3A_58, %div3A_55 : f32
    %mul3A_60 = arith.mulf %mul3A_59, %div3A_55 : f32
    %sub3A = arith.subf %reduce_sum3A_46, %mul3A_60 : f32
    %div3A_61 = arith.constant 1.599990e+05 : f32
    %div3A_62 = arith.divf %sub3A, %div3A_61 : f32
    %mul3A_63 = arith.constant 1.600000e+05 : f32
    %mul3A_64 = arith.mulf %mul3A_63, %div3A_57 : f32
    %mul3A_65 = arith.mulf %mul3A_64, %div3A_57 : f32
    %sub3A_66 = arith.subf %reduce_sum3A_54, %mul3A_65 : f32
    %div3A_67 = arith.constant 1.599990e+05 : f32
    %div3A_68 = arith.divf %sub3A_66, %div3A_67 : f32
    %sqrt3A = math.sqrt %div3A_62 : f32
    %max3A = arith.constant 9.99999997E-7 : f32
    %max3A_69 = arith.maximumf %sqrt3A, %max3A : f32
    %sqrt3A_70 = math.sqrt %div3A_68 : f32
    %max3A_71 = arith.constant 9.99999997E-7 : f32
    %max3A_72 = arith.maximumf %sqrt3A_70, %max3A_71 : f32
    %iota3A_73 = tpu.iota {dimensions = array<i32: 0>} : vector<2x2xi32>
    %iota3A_74 = tpu.iota {dimensions = array<i32: 1>} : vector<2x2xi32>
    %eq3A_75 = arith.constant 0 : i32
    %eq3A_76 = vector.broadcast %eq3A_75 : i32 to vector<2x2xi32>
    %eq3A_77 = arith.cmpi eq, %iota3A_73, %eq3A_76 : vector<2x2xi32>
    %eq3A_78 = arith.constant 0 : i32
    %eq3A_79 = vector.broadcast %eq3A_78 : i32 to vector<2x2xi32>
    %eq3A_80 = arith.cmpi eq, %iota3A_74, %eq3A_79 : vector<2x2xi32>
    %broadcast_in_dim3A_81 = vector.broadcast %div3A_55 : f32 to vector<2x2xf32>
    %broadcast_in_dim3A_82 = vector.broadcast %div3A_57 : f32 to vector<2x2xf32>
    %select_n3A_83 = arith.select %eq3A_80, %broadcast_in_dim3A_81, %broadcast_in_dim3A_82 : vector<2x2xi1>, vector<2x2xf32>
    %eq3A_84 = arith.constant 0 : i32
    %eq3A_85 = vector.broadcast %eq3A_84 : i32 to vector<2x2xi32>
    %eq3A_86 = arith.cmpi eq, %iota3A_74, %eq3A_85 : vector<2x2xi32>
    %broadcast_in_dim3A_87 = vector.broadcast %max3A_69 : f32 to vector<2x2xf32>
    %broadcast_in_dim3A_88 = vector.broadcast %max3A_72 : f32 to vector<2x2xf32>
    %select_n3A_89 = arith.select %eq3A_86, %broadcast_in_dim3A_87, %broadcast_in_dim3A_88 : vector<2x2xi1>, vector<2x2xf32>
    %select_n3A_90 = arith.select %eq3A_77, %select_n3A_83, %select_n3A_89 : vector<2x2xi1>, vector<2x2xf32>
    %swap3A = arith.constant 0 : index
    %swap3A_91 = arith.constant 0 : index
    %swap3A_92 = vector.load %arg1[%swap3A, %swap3A_91] : memref<2x2xf32, #tpu.memory_space<vmem>>, vector<2x2xf32>
    tpu.vector_store %arg1[%swap3A, %swap3A_91], %select_n3A_90 {strides = array<i32>} : memref<2x2xf32, #tpu.memory_space<vmem>>, vector<2x2xf32>,
    return
  }
}

module attributes {stable_mosaic.version = 14 : i64} {
  func.func @_edge_body(%arg0: i32, %arg1: i32, %arg2: memref<4000x48xf32, #tpu.memory_space<vmem>>, %arg3: memref<4000x2xf32, #tpu.memory_space<vmem>>, %arg4: memref<2x2xf32, #tpu.memory_space<vmem>>, %arg5: memref<2x32xf32, #tpu.memory_space<vmem>>, %arg6: memref<1x32xf32, #tpu.memory_space<vmem>>, %arg7: memref<1x32xf32, #tpu.memory_space<vmem>>, %arg8: memref<32x32xf32, #tpu.memory_space<vmem>>, %arg9: memref<1x32xf32, #tpu.memory_space<vmem>>, %arg10: memref<4000x32xf32, #tpu.memory_space<vmem>>) attributes {dimension_semantics = [#tpu.dimension_semantics<arbitrary>, #tpu.dimension_semantics<arbitrary>], iteration_bounds = array<i64: 2, 40>, scalar_prefetch = 0 : i64, scratch_operands = 0 : i64, tpu.core_type = #tpu.core_type<tc>, window_params = [{transform_indices = @transform_0, window_bounds = array<i64: 4000, 48>}, {transform_indices = @transform_1, window_bounds = array<i64: 4000, 2>}, {pipeline_mode = #tpu.pipeline_mode<synchronous>, transform_indices = @transform_2, window_bounds = array<i64: 2, 2>}, {pipeline_mode = #tpu.pipeline_mode<synchronous>, transform_indices = @transform_3, window_bounds = array<i64: 2, 32>}, {pipeline_mode = #tpu.pipeline_mode<synchronous>, transform_indices = @transform_4, window_bounds = array<i64: 1, 32>}, {pipeline_mode = #tpu.pipeline_mode<synchronous>, transform_indices = @transform_5, window_bounds = array<i64: 1, 32>}, {pipeline_mode = #tpu.pipeline_mode<synchronous>, transform_indices = @transform_6, window_bounds = array<i64: 32, 32>}, {pipeline_mode = #tpu.pipeline_mode<synchronous>, transform_indices = @transform_7, window_bounds = array<i64: 1, 32>}, {transform_indices = @transform_8, window_bounds = array<i64: 4000, 32>}]} {
    %get3A = arith.constant 0 : index
    %get3A_0 = arith.constant 0 : index
    %get3A_1 = vector.load %arg2[%get3A, %get3A_0] : memref<4000x48xf32, #tpu.memory_space<vmem>>, vector<4000x48xf32>
    %get3A_2 = arith.constant 0 : index
    %get3A_3 = arith.constant 0 : index
    %get3A_4 = vector.load %arg3[%get3A_2, %get3A_3] : memref<4000x2xf32, #tpu.memory_space<vmem>>, vector<4000x2xf32>
    %slice3A = vector.extract_strided_slice %get3A_4 {offsets = [0, 0], sizes = [4000, 1], strides = [1, 1]} : vector<4000x2xf32> to vector<4000x1xf32>
    %max3A = arith.constant 1.000000e-03 : f32
    %max3A_5 = vector.broadcast %max3A : f32 to vector<4000x1xf32>
    %max3A_6 = arith.maximumf %slice3A, %max3A_5 : vector<4000x1xf32>
    %slice3A_7 = vector.extract_strided_slice %get3A_4 {offsets = [0, 1], sizes = [4000, 1], strides = [1, 1]} : vector<4000x2xf32> to vector<4000x1xf32>
    %cos3A = math.cos %slice3A_7 : vector<4000x1xf32>
    %mul3A = arith.constant 3.000000e+00 : f32
    %mul3A_8 = vector.broadcast %mul3A : f32 to vector<4000x1xf32>
    %mul3A_9 = arith.mulf %mul3A_8, %cos3A : vector<4000x1xf32>
    %div3A = arith.divf %mul3A_9, %max3A_6 : vector<4000x1xf32>
    %sin3A = math.sin %slice3A_7 : vector<4000x1xf32>
    %mul3A_10 = arith.constant 3.000000e+00 : f32
    %mul3A_11 = vector.broadcast %mul3A_10 : f32 to vector<4000x1xf32>
    %mul3A_12 = arith.mulf %mul3A_11, %sin3A : vector<4000x1xf32>
    %div3A_13 = arith.divf %mul3A_12, %max3A_6 : vector<4000x1xf32>
    %slice3A_14 = vector.extract_strided_slice %get3A_1 {offsets = [0, 32], sizes = [4000, 1], strides = [1, 1]} : vector<4000x48xf32> to vector<4000x1xf32>
    %mul3A_15 = arith.mulf %div3A, %slice3A_14 : vector<4000x1xf32>
    %slice3A_16 = vector.extract_strided_slice %get3A_1 {offsets = [0, 33], sizes = [4000, 1], strides = [1, 1]} : vector<4000x48xf32> to vector<4000x1xf32>
    %mul3A_17 = arith.mulf %div3A_13, %slice3A_16 : vector<4000x1xf32>
    %add3A = arith.addf %mul3A_15, %mul3A_17 : vector<4000x1xf32>
    %max3A_18 = arith.constant 0.000000e+00 : f32
    %max3A_19 = vector.broadcast %max3A_18 : f32 to vector<4000x1xf32>
    %max3A_20 = arith.maximumf %add3A, %max3A_19 : vector<4000x1xf32>
    %get3A_21 = arith.constant 0 : index
    %get3A_22 = arith.constant 0 : index
    %get3A_23 = vector.load %arg4[%get3A_21, %get3A_22] : memref<2x2xf32, #tpu.memory_space<vmem>>, vector<1x2xf32>
    %sub3A = vector.broadcast %get3A_23 : vector<1x2xf32> to vector<4000x2xf32>
    %sub3A_24 = arith.subf %get3A_4, %sub3A : vector<4000x2xf32>
    %get3A_25 = arith.constant 1 : index
    %get3A_26 = arith.constant 0 : index
    %get3A_27 = vector.load %arg4[%get3A_25, %get3A_26] : memref<2x2xf32, #tpu.memory_space<vmem>>, vector<1x2xf32>
    %div3A_28 = vector.broadcast %get3A_27 : vector<1x2xf32> to vector<4000x2xf32>
    %div3A_29 = arith.divf %sub3A_24, %div3A_28 : vector<4000x2xf32>
    %slice3A_30 = vector.extract_strided_slice %get3A_1 {offsets = [0, 0], sizes = [4000, 32], strides = [1, 1]} : vector<4000x48xf32> to vector<4000x32xf32>
    %get3A_31 = arith.constant 0 : index
    %get3A_32 = arith.constant 0 : index
    %get3A_33 = vector.load %arg5[%get3A_31, %get3A_32] : memref<2x32xf32, #tpu.memory_space<vmem>>, vector<2x32xf32>
    %dot_general3A = arith.constant dense<0.000000e+00> : vector<4000x32xf32>
    %dot_general3A_34 = tpu.matmul %div3A_29, %get3A_33, %dot_general3A {dimension_numbers = #tpu.dot_dimension_numbers<[1], [0], [0], [1], [0, 0, 1, 1], [], []>, transpose_lhs_hint = false} : vector<4000x2xf32>, vector<2x32xf32>, vector<4000x32xf32> -> vector<4000x32xf32>
    %add3A_35 = arith.addf %slice3A_30, %dot_general3A_34 : vector<4000x32xf32>
    %get3A_36 = arith.constant 0 : index
    %get3A_37 = arith.constant 0 : index
    %get3A_38 = vector.load %arg6[%get3A_36, %get3A_37] : memref<1x32xf32, #tpu.memory_space<vmem>>, vector<1x32xf32>
    %mul3A_39 = vector.broadcast %max3A_20 : vector<4000x1xf32> to vector<4000x32xf32>
    %mul3A_40 = vector.broadcast %get3A_38 : vector<1x32xf32> to vector<4000x32xf32>
    %mul3A_41 = arith.mulf %mul3A_39, %mul3A_40 : vector<4000x32xf32>
    %add3A_42 = arith.addf %add3A_35, %mul3A_41 : vector<4000x32xf32>
    %get3A_43 = arith.constant 0 : index
    %get3A_44 = arith.constant 0 : index
    %get3A_45 = vector.load %arg7[%get3A_43, %get3A_44] : memref<1x32xf32, #tpu.memory_space<vmem>>, vector<1x32xf32>
    %add3A_46 = vector.broadcast %get3A_45 : vector<1x32xf32> to vector<4000x32xf32>
    %add3A_47 = arith.addf %add3A_42, %add3A_46 : vector<4000x32xf32>
    %logistic3A = arith.negf %add3A_47 : vector<4000x32xf32>
    %logistic3A_48 = math.exp %logistic3A : vector<4000x32xf32>
    %logistic3A_49 = arith.constant 1.000000e+00 : f32
    %logistic3A_50 = vector.broadcast %logistic3A_49 : f32 to vector<4000x32xf32>
    %logistic3A_51 = arith.addf %logistic3A_50, %logistic3A_48 : vector<4000x32xf32>
    %logistic3A_52 = arith.divf %logistic3A_50, %logistic3A_51 : vector<4000x32xf32>
    %get3A_53 = arith.constant 0 : index
    %get3A_54 = arith.constant 0 : index
    %get3A_55 = vector.load %arg8[%get3A_53, %get3A_54] : memref<32x32xf32, #tpu.memory_space<vmem>>, vector<32x32xf32>
    %dot_general3A_56 = arith.constant dense<0.000000e+00> : vector<4000x32xf32>
    %dot_general3A_57 = tpu.matmul %logistic3A_52, %get3A_55, %dot_general3A_56 {dimension_numbers = #tpu.dot_dimension_numbers<[1], [0], [0], [1], [0, 0, 1, 1], [], []>, transpose_lhs_hint = false} : vector<4000x32xf32>, vector<32x32xf32>, vector<4000x32xf32> -> vector<4000x32xf32>
    %get3A_58 = arith.constant 0 : index
    %get3A_59 = arith.constant 0 : index
    %get3A_60 = vector.load %arg9[%get3A_58, %get3A_59] : memref<1x32xf32, #tpu.memory_space<vmem>>, vector<1x32xf32>
    %add3A_61 = vector.broadcast %get3A_60 : vector<1x32xf32> to vector<4000x32xf32>
    %add3A_62 = arith.addf %dot_general3A_57, %add3A_61 : vector<4000x32xf32>
    %logistic3A_63 = arith.negf %add3A_62 : vector<4000x32xf32>
    %logistic3A_64 = math.exp %logistic3A_63 : vector<4000x32xf32>
    %logistic3A_65 = arith.constant 1.000000e+00 : f32
    %logistic3A_66 = vector.broadcast %logistic3A_65 : f32 to vector<4000x32xf32>
    %logistic3A_67 = arith.addf %logistic3A_66, %logistic3A_64 : vector<4000x32xf32>
    %logistic3A_68 = arith.divf %logistic3A_66, %logistic3A_67 : vector<4000x32xf32>
    %iota3A = tpu.iota {dimensions = array<i32: 1>} : vector<1x32xi32>
    %lt3A = arith.constant 30 : i32
    %lt3A_69 = vector.broadcast %lt3A : i32 to vector<1x32xi32>
    %lt3A_70 = arith.cmpi slt, %iota3A, %lt3A_69 : vector<1x32xi32>
    %jit3A = arith.constant 0.000000e+00 : f32
    %broadcast_in_dim3A = vector.shape_cast %lt3A_70 : vector<1x32xi1> to vector<1x32xi1>
    %broadcast_in_dim3A_71 = vector.broadcast %broadcast_in_dim3A : vector<1x32xi1> to vector<4000x32xi1>
    %broadcast_in_dim3A_72 = vector.broadcast %jit3A : f32 to vector<4000x32xf32>
    %select_n3A = arith.select %broadcast_in_dim3A_71, %logistic3A_68, %broadcast_in_dim3A_72 : vector<4000x32xi1>, vector<4000x32xf32>
    %swap3A = arith.constant 0 : index
    %swap3A_73 = arith.constant 0 : index
    %swap3A_74 = vector.load %arg10[%swap3A, %swap3A_73] : memref<4000x32xf32, #tpu.memory_space<vmem>>, vector<4000x32xf32>
    tpu.vector_store %arg10[%swap3A, %swap3A_73], %select_n3A {strides = array<i32>} : memref<4000x32xf32, #tpu.memory_space<vmem>>, vector<4000x32xf32>,
    return
  }
  func.func @transform_0(%arg0: i32, %arg1: i32) -> (i32, i32) {
    %mul3A = arith.constant 40 : i32
    %mul3A_0 = arith.muli %arg0, %mul3A : i32
    %add3A = arith.addi %mul3A_0, %arg1 : i32
    %c0_i32 = arith.constant 0 : i32
    %c0_i32_1 = arith.constant 0 : i32
    return %add3A, %c0_i32 : i32, i32
  }
  func.func @transform_1(%arg0: i32, %arg1: i32) -> (i32, i32) {
    %c0_i32 = arith.constant 0 : i32
    %c0_i32_0 = arith.constant 0 : i32
    return %arg1, %c0_i32 : i32, i32
  }
  func.func @transform_2(%arg0: i32, %arg1: i32) -> (i32, i32) {
    %c0_i32 = arith.constant 0 : i32
    %c0_i32_0 = arith.constant 0 : i32
    %c0_i32_1 = arith.constant 0 : i32
    return %c0_i32, %c0_i32_0 : i32, i32
  }
  func.func @transform_3(%arg0: i32, %arg1: i32) -> (i32, i32) {
    %c0_i32 = arith.constant 0 : i32
    %c0_i32_0 = arith.constant 0 : i32
    %c0_i32_1 = arith.constant 0 : i32
    return %c0_i32, %c0_i32_0 : i32, i32
  }
  func.func @transform_4(%arg0: i32, %arg1: i32) -> (i32, i32) {
    %c0_i32 = arith.constant 0 : i32
    %c0_i32_0 = arith.constant 0 : i32
    %c0_i32_1 = arith.constant 0 : i32
    return %c0_i32, %c0_i32_0 : i32, i32
  }
  func.func @transform_5(%arg0: i32, %arg1: i32) -> (i32, i32) {
    %c0_i32 = arith.constant 0 : i32
    %c0_i32_0 = arith.constant 0 : i32
    %c0_i32_1 = arith.constant 0 : i32
    return %c0_i32, %c0_i32_0 : i32, i32
  }
  func.func @transform_6(%arg0: i32, %arg1: i32) -> (i32, i32) {
    %c0_i32 = arith.constant 0 : i32
    %c0_i32_0 = arith.constant 0 : i32
    %c0_i32_1 = arith.constant 0 : i32
    return %c0_i32, %c0_i32_0 : i32, i32
  }
  func.func @transform_7(%arg0: i32, %arg1: i32) -> (i32, i32) {
    %c0_i32 = arith.constant 0 : i32
    %c0_i32_0 = arith.constant 0 : i32
    %c0_i32_1 = arith.constant 0 : i32
    return %c0_i32, %c0_i32_0 : i32, i32
  }
  func.func @transform_8(%arg0: i32, %arg1: i32) -> (i32, i32) {
    %mul3A = arith.constant 40 : i32
    %mul3A_0 = arith.muli %arg0, %mul3A : i32
    %add3A = arith.addi %mul3A_0, %arg1 : i32
    %c0_i32 = arith.constant 0 : i32
    %c0_i32_1 = arith.constant 0 : i32
    return %add3A, %c0_i32 : i32, i32
  }
}

module attributes {stable_mosaic.version = 14 : i64} {
  func.func @_final_body(%arg0: i32, %arg1: memref<2000x32xf32, #tpu.memory_space<vmem>>, %arg2: memref<2000x32xf32, #tpu.memory_space<vmem>>, %arg3: memref<32x128xf32, #tpu.memory_space<vmem>>, %arg4: memref<1x128xf32, #tpu.memory_space<vmem>>, %arg5: memref<2000x128xf32, #tpu.memory_space<vmem>>) attributes {dimension_semantics = [#tpu.dimension_semantics<arbitrary>], iteration_bounds = array<i64: 10>, scalar_prefetch = 0 : i64, scratch_operands = 0 : i64, tpu.core_type = #tpu.core_type<tc>, window_params = [{transform_indices = @transform_0, window_bounds = array<i64: 2000, 32>}, {transform_indices = @transform_1, window_bounds = array<i64: 2000, 32>}, {pipeline_mode = #tpu.pipeline_mode<synchronous>, transform_indices = @transform_2, window_bounds = array<i64: 32, 128>}, {pipeline_mode = #tpu.pipeline_mode<synchronous>, transform_indices = @transform_3, window_bounds = array<i64: 1, 128>}, {transform_indices = @transform_4, window_bounds = array<i64: 2000, 128>}]} {
    %get3A = arith.constant 0 : index
    %get3A_0 = arith.constant 0 : index
    %get3A_1 = vector.load %arg1[%get3A, %get3A_0] : memref<2000x32xf32, #tpu.memory_space<vmem>>, vector<2000x32xf32>
    %get3A_2 = arith.constant 0 : index
    %get3A_3 = arith.constant 0 : index
    %get3A_4 = vector.load %arg2[%get3A_2, %get3A_3] : memref<2000x32xf32, #tpu.memory_space<vmem>>, vector<2000x32xf32>
    %sub3A = arith.subf %get3A_1, %get3A_4 : vector<2000x32xf32>
    %get3A_5 = arith.constant 0 : index
    %get3A_6 = arith.constant 0 : index
    %get3A_7 = vector.load %arg3[%get3A_5, %get3A_6] : memref<32x128xf32, #tpu.memory_space<vmem>>, vector<32x128xf32>
    %dot_general3A = arith.constant dense<0.000000e+00> : vector<2000x128xf32>
    %dot_general3A_8 = tpu.matmul %sub3A, %get3A_7, %dot_general3A {dimension_numbers = #tpu.dot_dimension_numbers<[1], [0], [0], [1], [0, 0, 1, 1], [], []>, transpose_lhs_hint = false} : vector<2000x32xf32>, vector<32x128xf32>, vector<2000x128xf32> -> vector<2000x128xf32>
    %get3A_9 = arith.constant 0 : index
    %get3A_10 = arith.constant 0 : index
    %get3A_11 = vector.load %arg4[%get3A_9, %get3A_10] : memref<1x128xf32, #tpu.memory_space<vmem>>, vector<1x128xf32>
    %add3A = vector.broadcast %get3A_11 : vector<1x128xf32> to vector<2000x128xf32>
    %add3A_12 = arith.addf %dot_general3A_8, %add3A : vector<2000x128xf32>
    %logistic3A = arith.negf %add3A_12 : vector<2000x128xf32>
    %logistic3A_13 = math.exp %logistic3A : vector<2000x128xf32>
    %logistic3A_14 = arith.constant 1.000000e+00 : f32
    %logistic3A_15 = vector.broadcast %logistic3A_14 : f32 to vector<2000x128xf32>
    %logistic3A_16 = arith.addf %logistic3A_15, %logistic3A_13 : vector<2000x128xf32>
    %logistic3A_17 = arith.divf %logistic3A_15, %logistic3A_16 : vector<2000x128xf32>
    %swap3A = arith.constant 0 : index
    %swap3A_18 = arith.constant 0 : index
    %swap3A_19 = vector.load %arg5[%swap3A, %swap3A_18] : memref<2000x128xf32, #tpu.memory_space<vmem>>, vector<2000x128xf32>
    tpu.vector_store %arg5[%swap3A, %swap3A_18], %logistic3A_17 {strides = array<i32>} : memref<2000x128xf32, #tpu.memory_space<vmem>>, vector<2000x128xf32>,
    return
  }
  func.func @transform_0(%arg0: i32) -> (i32, i32) {
    %c0_i32 = arith.constant 0 : i32
    %c0_i32_0 = arith.constant 0 : i32
    return %arg0, %c0_i32 : i32, i32
  }
  func.func @transform_1(%arg0: i32) -> (i32, i32) {
    %c0_i32 = arith.constant 0 : i32
    %c0_i32_0 = arith.constant 0 : i32
    return %arg0, %c0_i32 : i32, i32
  }
  func.func @transform_2(%arg0: i32) -> (i32, i32) {
    %c0_i32 = arith.constant 0 : i32
    %c0_i32_0 = arith.constant 0 : i32
    %c0_i32_1 = arith.constant 0 : i32
    return %c0_i32, %c0_i32_0 : i32, i32
  }
  func.func @transform_3(%arg0: i32) -> (i32, i32) {
    %c0_i32 = arith.constant 0 : i32
    %c0_i32_0 = arith.constant 0 : i32
    %c0_i32_1 = arith.constant 0 : i32
    return %c0_i32, %c0_i32_0 : i32, i32
  }
  func.func @transform_4(%arg0: i32) -> (i32, i32) {
    %c0_i32 = arith.constant 0 : i32
    %c0_i32_0 = arith.constant 0 : i32
    return %arg0, %c0_i32 : i32, i32
  }
}

</mosaic_0001>

<sc_bundles>
// kernel: kernel.11.cloned.1.call-start
scs
__scs_entry_jumppad:
0x0: {  	(pc) =	sbr.rel $0x88, $3  }
0x1: {  	(tag) =	ssettag $0x0;
	lr =	simm.s32 $0x1  }
0x2: {  	[smem:$0x3F98] =	sst lr;
	_ =	strace $0xD0000000  }
0x3: {  	_ = 	snop  }
0x4: {  	_ = 	snop  }
0x5: {  	_ = 	snop  }
0x6: {  	_ = 	snop  }
0x7: {  	_ = 	snop  }
__scs_overlays_trampoline_lowered:
0x8: {  	[smem:$0x3FA7] =	sst s0  }
0x9: {  	[smem:$0x3FA8] =	sst s1  }
0xa: {  	[smem:$0x3FA9] =	sst s2  }
0xb: {  	[smem:$0x3FAA] =	sst s3  }
0xc: {  	[smem:$0x3FAB] =	sst s4  }
0xd: {  	[smem:$0x3FAC] =	sst s5  }
0xe: {  	[smem:$0x3FAD] =	sst s6  }
0xf: {  	[smem:$0x3FAE] =	sst s7  }
0x10: {  	[smem:$0x3FAF] =	sst s8  }
0x11: {  	[smem:$0x3FB0] =	sst s9;
	s0 =	simm.s32 @!p0 $0x0  }
0x12: {  	s1 =	sld [smem:$0x3F96];
	s0 =	simm.s32 @p0 $0x1  }
0x13: {  	[smem:$0x3FB1] =	sst s0;
	s0 =	simm.s32 @!p1 $0x0  }
0x14: {  	s2 =	sld [smem:$0x3F95];
	s0 =	simm.s32 @p1 $0x1  }
0x15: {  	[smem:$0x3FB2] =	sst s0;
	s0 =	simm.s32 @!p2 $0x0  }
0x16: {  	s3 =	sld [smem:$0x3FDB];
	s0 =	simm.s32 @p2 $0x1  }
0x17: {  	s4 =	simm.s32 $0x1BF5;
	[smem:$0x3FB4] =	sst s0  }
0x18: {  	s0 =	sld [smem:$0x3F97];
	_ =	swait.ge [sflag:s4], $0x0  }
0x19: {  	s7 =	sld [smem:$0x3F98]  }
0x1a: {  	s8 =	sadd.s32 $0xFFFFE003, lr  }
0x1b: {  	s9 =	sadd.s32 $0xFFFFFEF7, lr;
	s5 =	simm.s32 $0xFFFFFFFF;
	p2 =	slt.u32 s8, $0xFFFFF086  }
0x1c: {  	p1 =	slt.u32 s9, $0xF7A;
	s5 =	simm.s32 @!p2 $0x0  }
0x1d: {  	s5 =	simm.s32 @p1 $0x1;
	p0 =	seq.s32 s7, s2  }
0x1e: {  	s7 =	smul.u32 @!p0 $0xF7A, s2;
	p2 =	seq.s32 @!p0 s5, $0x0  }
0x1f: {  	s9 =	smul.u32 $0xF7A, s1;
	s8 =	simm.s32 @!p0 $0x1BF5;
	p2 =	por !p2, p0  }
0x20: {  	[sflag:s8] =	ssyncset.s32 @!p0 $0xFFFFF086;
	s6 =	sadd.s32 @!p0 s3, s7;
	s7 =	simm.s32 @!p0 $0x108  }
0x21: {  	s3 =	sadd.s32 s3, s9;
	s6 =	sadd.s32 @!p0 $0x88, s6;
	s7 =	simm.s32 @p2 $0x1082  }
0x22: {  	[simem:s7], [sflag:s8] =	dma.local @!p0 [hbm:s6], $0xF7A  }
0x23: {  	s9 =	sor.u32 $0xD0000000, s2;
	s6 =	simm.s32 $0x108;
	_ =	swait.ge @!p0 [sflag:s8], $0x0  }
0x24: {  	s3 =	sadd.s32 $0x88, s3;
	s6 =	simm.s32 @!p1 $0x1082;
	[sflag:s4] =	ssyncset.s32 $0xFFFFF086  }
0x25: {  	[simem:s6], [sflag:s4] =	dma.local [hbm:s3], $0xF7A  }
0x26: {  	[smem:$0x3F98] =	sst s1;
	(tag) =	ssettag s2;
	_ =	strace s9  }
0x27: {  	s1 =	sld [smem:$0x3FA8]  }
0x28: {  	s2 =	sld [smem:$0x3FA9]  }
0x29: {  	s4 =	sld [smem:$0x3FAB]  }
0x2a: {  	p0 =	seq.s32 s5, $0x0;
	s5 =	sld [smem:$0x3FAC]  }
0x2b: {  	s6 =	sld [smem:$0x3FAD]  }
0x2c: {  	s7 =	sld [smem:$0x3FAE]  }
0x2d: {  	s3 =	simm.s32 $0x108;
	s8 =	sld [smem:$0x3FAF]  }
0x2e: {  	s3 =	simm.s32 @!p0 $0x1082;
	s9 =	sld [smem:$0x3FB0]  }
0x2f: {  	lr =	sadd.s32 s0, s3;
	s0 =	sld [smem:$0x3FA7]  }
0x30: {  	s3 =	sld [smem:$0x3FAA]  }
0x31: {  	[smem:$0x3FB3] =	sst s10  }
0x32: {  	s10 =	sld [smem:$0x3FB1];
	_ =	sdelay $0x3  }
0x33: {  	p0 =	seq.s32 s10, $0x1;
	s10 =	sld [smem:$0x3FB3];
	_ =	sdelay $0x3  }
0x34: {  	[smem:$0x3FB3] =	sst s10  }
0x35: {  	s10 =	sld [smem:$0x3FB2];
	_ =	sdelay $0x3  }
0x36: {  	p1 =	seq.s32 s10, $0x1;
	s10 =	sld [smem:$0x3FB3];
	_ =	sdelay $0x3  }
0x37: {  	[smem:$0x3FB3] =	sst s10  }
0x38: {  	s10 =	sld [smem:$0x3FB4]  }
0x39: {  	_ = 	snop;
	(pc) =	sbr.ind lr, $3  }
0x3a: {  	_ = 	snop  }
0x3b: {  	_ = 	snop  }
0x3c: {  	p2 =	seq.s32 s10, $0x1;
	s10 =	sld [smem:$0x3FB3]  }
0x3d: {  	_ =	shalt  }
0x3e: {  	_ =	shalt  }
0x3f: {  	_ =	shalt  }
0x40: {  	_ =	shalt  }
0x41: {  	_ =	shalt  }
0x42: {  	_ =	shalt  }
0x43: {  	_ =	shalt  }
0x44: {  	_ =	shalt  }
0x45: {  	_ =	shalt  }
0x46: {  	_ =	shalt  }
0x47: {  	_ =	shalt  }
0x48: {  	_ =	shalt  }
0x49: {  	_ =	shalt  }
0x4a: {  	_ =	shalt  }
0x4b: {  	_ =	shalt  }
0x4c: {  	_ =	shalt  }
0x4d: {  	_ =	shalt  }
0x4e: {  	_ =	shalt  }
0x4f: {  	_ =	shalt  }
0x50: {  	_ =	shalt  }
0x51: {  	_ =	shalt  }
0x52: {  	_ =	shalt  }
0x53: {  	_ =	shalt  }
0x54: {  	_ =	shalt  }
0x55: {  	_ =	shalt  }
0x56: {  	_ =	shalt  }
0x57: {  	_ =	shalt  }
0x58: {  	_ =	shalt  }
0x59: {  	_ =	shalt  }
0x5a: {  	_ =	shalt  }
0x5b: {  	_ =	shalt  }
0x5c: {  	_ =	shalt  }
0x5d: {  	_ =	shalt  }
0x5e: {  	_ =	shalt  }
0x5f: {  	_ =	shalt  }
0x60: {  	_ =	shalt  }
0x61: {  	_ =	shalt  }
0x62: {  	_ =	shalt  }
0x63: {  	_ =	shalt  }
0x64: {  	_ =	shalt  }
0x65: {  	_ =	shalt  }
0x66: {  	_ =	shalt  }
0x67: {  	_ =	shalt  }
0x68: {  	_ =	shalt  }
0x69: {  	_ =	shalt  }
0x6a: {  	_ =	shalt  }
0x6b: {  	_ =	shalt  }
0x6c: {  	_ =	shalt  }
0x6d: {  	_ =	shalt  }
0x6e: {  	_ =	shalt  }
0x6f: {  	_ =	shalt  }
0x70: {  	_ =	shalt  }
0x71: {  	_ =	shalt  }
0x72: {  	_ =	shalt  }
0x73: {  	_ =	shalt  }
0x74: {  	_ =	shalt  }
0x75: {  	_ =	shalt  }
0x76: {  	_ =	shalt  }
0x77: {  	_ =	shalt  }
0x78: {  	_ =	shalt  }
0x79: {  	_ =	shalt  }
0x7a: {  	_ =	shalt  }
0x7b: {  	_ =	shalt  }
0x7c: {  	_ =	shalt  }
0x7d: {  	_ =	shalt  }
0x7e: {  	_ =	shalt  }
0x7f: {  	_ =	shalt  }
0x80: {  	_ =	shalt  }
0x81: {  	_ =	shalt  }
0x82: {  	_ =	shalt  }
0x83: {  	_ =	shalt  }
0x84: {  	_ =	shalt  }
0x85: {  	_ =	shalt  }
0x86: {  	_ =	shalt  }
0x87: {  	_ =	shalt  }
.Lfunc_end0:
.L_simem_size_0:
called_computation.1_lowered:
.L_overlay_start_0:
0x88: {  	s2 =	sld [smem:$0x3FD9]  }
0x89: {  	s3 =	sld [smem:$0x3FFE];
	_ =	sdelay $0x1  }
0x8a: {  	s1 =	srdreg.scid  }
0x8b: {  	s0 =	sand.u32 $0x1, s1  }
0x8c: {  	s17 =	sshll.u32 s0, $0xA;
	s2 =	sadd.s32 s3, s2  }
0x8d: {  	s2 =	sadd.s32 s2, s17  }
0x8e: {  	[smem:$0x3FBF] =	sst s2  }
0x8f: {  	_ = 	snop  }
0x90: {  	s2 =	sld [smem:$0x3FD0];
	(tm) =	ssettm $0x1  }
0x91: {  	s18 =	sld [smem:$0x3FFB];
	_ =	sdelay $0x3  }
0x92: {  	_ =	strace s18  }
0x93: {  	s3 =	sld [smem:$0x3FFC];
	_ =	sdelay $0x3  }
0x94: {  	_ =	strace s3  }
0x95: {  	s3 =	sld [smem:$0x3FFD];
	_ =	sdelay $0x3  }
0x96: {  	_ =	strace s3  }
0x97: {  	_ =	strace $0x8FFFFFFF  }
0x98: {  	s19 =	sld [smem:$0x3FDB];
	_ =	sdelay $0x1  }
0x99: {  	s4 =	simm.s32 $_scs_section_size  }
0x9a: {  	s5 =	simm.s32 $_size__tile_overlayer_lowered;
	s6 =	simm.s32 $_tile_overlayer_lowered  }
0x9b: {  	s22 =	simm.s32 $0x1BFF;
	s21 =	sshll.u32 s6, $0x1;
	s3 =	sadd.s32 s4, s19  }
0x9c: {  	s7 =	simm.s32 $0x0;
	s20 =	sshll.u32 s5, $0x1;
	s5 =	sadd.s32 s21, s3  }
0x9d: {  	[timem:s7], [sflag:s22] =	dma.local [hbm:s5], s20  }
0x9e: {  	_ =	swait.ge [sflag:s22], s20  }
0x9f: {  	s4 =	ssub.s32 $0x0, s20;
	[sflag:s22] =	ssyncset.done $0x0  }
0xa0: {  	[sflag:s22] =	ssyncadd.s32 s4;
	_ =	sdelay $0x1  }
0xa1: {  	s23 =	simm.s32 $0x1B8B  }
0xa2: {  	_ =	swait.ge [sflag:s23], $0x1  }
0xa3: {  	[sflag:s23] =	ssyncset.done $0x0  }
0xa4: {  	s25 =	simm.s32 $0x1B8E;
	s24 =	sld [smem:$0x3FFE];
	[sflag:s23] =	ssyncadd.s32 $0xFFFFFFFF  }
0xa5: {  	s26 =	simm.s32 $execute0_lowered;
	[smem:$0x3FD2] =	sst s25  }
0xa6: {  	s5 =	sshll.u32 s26, $0x1;
	_ =	strace $0x80000049;
	[dreg:$0x1] =	wrdreg $0xFFFFFFFF  }
0xa7: {  	s28 =	simm.s32 $_size_execute0_lowered;
	s3 =	sadd.s32 s3, s5;
	[dreg:$0x0] =	wrdreg $0x0  }
0xa8: {  	s5 =	sshll.u32 s28, $0x1;
	[dreg:$0x2] =	wrdreg s3  }
0xa9: {  	[dreg:$0x3] =	wrdreg s5  }
0xaa: {  	[dreg:$0x4] =	wrdreg $0xC0  }
0xab: {  	_ =	task [dreg:s7], $0x5FFFF  }
0xac: {  	[dreg:$0x1] =	wrdreg $0xFFFFFFFF  }
0xad: {  	[dreg:$0x0] =	wrdreg $0x60  }
0xae: {  	[dreg:$0x2] =	wrdreg s24  }
0xaf: {  	[dreg:$0x3] =	wrdreg s2  }
0xb0: {  	[dreg:$0x4] =	wrdreg $0x80200  }
0xb1: {  	[dreg:$0x5] =	wrdreg $0xCE400  }
0xb2: {  	[dreg:$0x6] =	wrdreg $0x9  }
0xb3: {  	_ =	task.clear_ibuf [dreg:s7], $0x7FFFF;
	_ =	strace $0x90000049  }
0xb4: {  	s29 =	simm.s32 $0x9;
	_ =	strace $0x8000004B  }
0xb5: {  	_ =	swait.ge [sflag:s29], $0x1  }
0xb6: {  	[sflag:s29] =	ssyncadd.s32 $0xFFFFFFFF  }
0xb7: {  	_ =	strace $0x9000004B  }
0xb8: {  	_ =	sfence  }
0xb9: {  	s30 =	sld [smem:$0x0];
	_ =	sdelay $0x2  }
0xba: {  	s31 =	sshll.u32 s1, $0xD;
	s1 =	sshrl.u32 s1, $0x2  }
0xbb: {  	s3 =	sand.u32 $0x4000, s31;
	s1 =	sadd.s32 s1, s30  }
0xbc: {  	s0 =	sor.u32 s3, s0;
	s1 =	sshll.u32 s1, $0x11  }
0xbd: {  	s0 =	sor.u32 s1, s0  }
0xbe: {  	s0 =	sadd.s32 $0x8F2B, s0  }
0xbf: {  	[sflag:s0] =	ssyncadd.remote.s32 $0x1  }
0xc0: {  	_ =	sfence.sel $0xFFFF  }
0xc1: {  	[dreg:$0x0] =	wrdreg $0xFFFFFFFF;
	(pc) =	sbr.abs _section_cstart, $3  }
0xc2: {  	[dreg:$0x1] =	wrdreg $0xFFFFFFFF  }
0xc3: {  	_ =	task.clear_ibuf [dreg:s7], $0x2FFFF;
	_ =	strace $0x9FFFFFFF  }
0xc4: {  	(tm) =	ssettm $0x7FFFFFFF  }
0xc5: {  	_ =	shalt  }
tec
execute0_lowered:
.L_overlay_start_1:
0x0: {  	(tag) =	ssettag $0x1  }
0x1: {  	s6 =	rddreg [dreg:$0x0]  }
0x2: {  	s9 =	rddreg [dreg:$0x1]  }
0x3: {  	s2 =	rddreg [dreg:$0x2]  }
0x4: {  	s3 =	rddreg [dreg:$0x3]  }
0x5: {  	s0 =	rddreg [dreg:$0x4];
	s1 =	stileid.u32  }
0x6: {  	s7 =	srdreg.scid;
	s4 =	simm.s32 $0x0;
	s18 =	simm.s32 $0x50  }
0x7: {  	s19 =	simm.s32 $0x5820;
	s20 =	simm.s32 $0x6220;
	s5 =	smul.u32 $0x4E2, s1  }
0x8: {  	s21 =	simm.s32 $0x6C20;
	s22 =	simm.s32 $0x7620;
	s8 =	smul.u32 $0x4E20, s1  }
0x9: {  	s23 =	simm.s32 $0x1;
	s7 =	sand.u32 $0x1, s7;
	s16 =	smul.u32 $0x9C40, s1  }
0xa: {  	s24 =	simm.s32 $0x0;
	[smem:$0x7FF] =	sst s4;
	s10 =	smul.u32 $0x4E200, s7  }
0xb: {  	s30 =	sshll.u32 s1, $0x6;
	s11 =	smul.u32 $0x9C400, s7;
	s7 =	ssub.s32 $0x2, s7  }
0xc: {  	_ =	strace $0x8000004A;
	s12 =	sadd.s32 s5, s6;
	s13 =	sshrl.u32 s7, $0x1  }
0xd: {  	s5 =	sadd.s32 $0x144A00, s6;
	s15 =	sadd.s32 s8, s2;
	s17 =	sadd.s32 s8, s3  }
0xe: {  	s26 =	sadd.s32 s8, s10;
	s28 =	sadd.s32 s11, s6;
	s13 =	ssub.s32 s7, s13  }
0xf: {  	s7 =	sadd.s32 $0x2200, s12;
	s8 =	sadd.s32 $0x7200, s12;
	s29 =	sshrl.u32 s26, $0x3  }
0x10: {  	s31 =	sadd.s32 s16, s28;
	s11 =	smax.u32 s13, $0x1;
	s13 =	sshrl.u32 s15, $0x3  }
0x11: {  	s15 =	sshrl.u32 s17, $0x3;
	s16 =	simm.s32 $0x2710;
	s17 =	simm.s32 $0x4E20  }
0x12: {  	s14 =	sadd.s32 s29, s6;
	s6 =	sor.u32 $0x1C02, s30;
	s9 =	sadd.s32 s9, s29  }
0x13: {  	s12 =	sadd.s32 $0xC200, s31;
	s10 =	sadd.s32 $0x145400, s14;
	s14 =	simm.s32 $0x2  }
.LBB2_1:
0x14: {  	[spmem:s13], [sflag:s6] =	dma.local [hbm:s5], $0x9C4  }
0x15: {  	_ =	swait.ge [sflag:s14], $0x9C4  }
0x16: {  	[sflag:s14] =	ssyncset.done $0x0  }
0x17: {  	[sflag:s14] =	ssyncadd.s32 $0xFFFFF63C  }
0x18: {  	[spmem:s15], [sflag:s6] =	dma.local [hbm:s5], $0x9C4  }
0x19: {  	_ =	swait.ge [sflag:s14], $0x9C4  }
0x1a: {  	[sflag:s14] =	ssyncset.done $0x0  }
0x1b: {  	[sflag:s14] =	ssyncadd.s32 $0xFFFFF63C  }
0x1c: {  	[tilespmem:s4], [sflag:$0x2] =	stream.linear.gather [hbm4b:s7+s4], $0x2710, $0x38;
	[tilespmem:$0x11C60] =	vst v63  }
0x1d: {  	_ =	swait.ge [sflag:s14], $0x2710  }
0x1e: {  	[sflag:s14] =	ssyncset.done $0x0  }
0x1f: {  	[sflag:s14] =	ssyncadd.s32 $0xFFFFD8F0  }
0x20: {  	[tilespmem:s16], [sflag:$0x2] =	stream.linear.gather [hbm4b:s8+s4], $0x2710, $0x38;
	[tilespmem:$0x11C60] =	vst v63  }
0x21: {  	_ =	swait.ge [sflag:s14], $0x2710  }
0x22: {  	[sflag:s14] =	ssyncset.done $0x0  }
0x23: {  	[sflag:s14] =	ssyncadd.s32 $0xFFFFD8F0  }
0x24: {  	s25 =	sadd.s32 $0x0, s12;
	[bflag:$0x0] =	sbarrier.arrive $0xFFFF  }
0x25: {  	[tilespmem:s17], [sflag:$0x2] =	stream.linear.gather [hbm4b:s25+s4], $0x3200, $0x38;
	[tilespmem:$0x11C60] =	vst v63  }
0x26: {  	_ =	swait.ge [sflag:s14], $0x3200  }
0x27: {  	[sflag:s14] =	ssyncset.done $0x0  }
0x28: {  	s30 =	simm.s32 $0x2710;
	[sflag:s14] =	ssyncadd.s32 $0xFFFFCE00  }
0x29: {  	[spmem:s2] =	stream.indirect.scatter.add.f32 [tilespmem:s17], [sflag:$0x1], $0x20, s30, s18, $0xb8;
	[tilespmem:$0x11C60] =	vst v63  }
0x2a: {  	s31 =	simm.s32 $0x0  }
0x2b: {  	[spmem:s3] =	stream.indirect.scatter.add.f32 [tilespmem:s17], [sflag:$0x1], $0x20, s31, s18, $0xb8;
	[tilespmem:$0x11C60] =	vst v63  }
0x2c: {  	s26 =	simm.s32 $0x2760  }
0x2d: {  	[spmem:s2] =	stream.indirect.scatter.add.f32 [tilespmem:s19], [sflag:$0x1], $0x20, s26, s18, $0xb8;
	[tilespmem:$0x11C60] =	vst v63  }
0x2e: {  	s29 =	simm.s32 $0x50  }
0x2f: {  	[spmem:s3] =	stream.indirect.scatter.add.f32 [tilespmem:s19], [sflag:$0x1], $0x20, s29, s18, $0xb8;
	[tilespmem:$0x11C60] =	vst v63  }
0x30: {  	s30 =	simm.s32 $0x27B0  }
0x31: {  	[spmem:s2] =	stream.indirect.scatter.add.f32 [tilespmem:s20], [sflag:$0x1], $0x20, s30, s18, $0xb8;
	[tilespmem:$0x11C60] =	vst v63  }
0x32: {  	s31 =	simm.s32 $0xA0  }
0x33: {  	[spmem:s3] =	stream.indirect.scatter.add.f32 [tilespmem:s20], [sflag:$0x1], $0x20, s31, s18, $0xb8;
	[tilespmem:$0x11C60] =	vst v63  }
0x34: {  	s26 =	simm.s32 $0x2800  }
0x35: {  	[spmem:s2] =	stream.indirect.scatter.add.f32 [tilespmem:s21], [sflag:$0x1], $0x20, s26, s18, $0xb8;
	[tilespmem:$0x11C60] =	vst v63  }
0x36: {  	s29 =	simm.s32 $0xF0  }
0x37: {  	[spmem:s3] =	stream.indirect.scatter.add.f32 [tilespmem:s21], [sflag:$0x1], $0x20, s29, s18, $0xb8;
	[tilespmem:$0x11C60] =	vst v63  }
0x38: {  	s30 =	simm.s32 $0x2850  }
0x39: {  	[spmem:s2] =	stream.indirect.scatter.add.f32 [tilespmem:s22], [sflag:$0x1], $0x20, s30, s18, $0xb8;
	[tilespmem:$0x11C60] =	vst v63  }
0x3a: {  	s31 =	simm.s32 $0x140  }
0x3b: {  	[spmem:s3] =	stream.indirect.scatter.add.f32 [tilespmem:s22], [sflag:$0x1], $0x20, s31, s18, $0xb8;
	[tilespmem:$0x11C60] =	vst v63  }
0x3c: {  	_ =	swait.ge [sflag:s23], $0xA00  }
0x3d: {  	[sflag:s23] =	ssyncset.done $0x0  }
0x3e: {  	[sflag:s23] =	ssyncadd.s32 $0xFFFFF600  }
0x3f: {  	_ =	swait.ge [sflag:s23], $0xA00  }
0x40: {  	[sflag:s23] =	ssyncset.done $0x0  }
0x41: {  	[sflag:s23] =	ssyncadd.s32 $0xFFFFF600  }
0x42: {  	_ =	swait.ge [sflag:s23], $0xA00  }
0x43: {  	[sflag:s23] =	ssyncset.done $0x0  }
0x44: {  	[sflag:s23] =	ssyncadd.s32 $0xFFFFF600  }
0x45: {  	_ =	swait.ge [sflag:s23], $0xA00  }
0x46: {  	[sflag:s23] =	ssyncset.done $0x0  }
0x47: {  	[sflag:s23] =	ssyncadd.s32 $0xFFFFF600  }
0x48: {  	_ =	swait.ge [sflag:s23], $0xA00  }
0x49: {  	[sflag:s23] =	ssyncset.done $0x0  }
0x4a: {  	[sflag:s23] =	ssyncadd.s32 $0xFFFFF600  }
0x4b: {  	_ =	swait.ge [sflag:s23], $0xA00  }
0x4c: {  	[sflag:s23] =	ssyncset.done $0x0  }
0x4d: {  	[sflag:s23] =	ssyncadd.s32 $0xFFFFF600  }
0x4e: {  	_ =	swait.ge [sflag:s23], $0xA00  }
0x4f: {  	[sflag:s23] =	ssyncset.done $0x0  }
0x50: {  	[sflag:s23] =	ssyncadd.s32 $0xFFFFF600  }
0x51: {  	_ =	swait.ge [sflag:s23], $0xA00  }
0x52: {  	[sflag:s23] =	ssyncset.done $0x0  }
0x53: {  	[sflag:s23] =	ssyncadd.s32 $0xFFFFF600  }
0x54: {  	_ =	swait.ge [sflag:s23], $0xA00  }
0x55: {  	[sflag:s23] =	ssyncset.done $0x0  }
0x56: {  	[sflag:s23] =	ssyncadd.s32 $0xFFFFF600  }
0x57: {  	_ =	swait.ge [sflag:s23], $0xA00  }
0x58: {  	s28 =	simm.s32 $0xC80;
	s25 =	simm.s32 $0x640;
	[sflag:s23] =	ssyncset.done $0x0  }
.LBB2_2:
0x59: {  	s29 =	sadd.s32 s25, s12  }
0x5a: {  	[sflag:s23] =	ssyncadd.s32 $0xFFFFF600;
	s30 =	smov.u32 s28;
	s26 =	sadd.s32 $0x640, s28  }
0x5b: {  	[tilespmem:s17], [sflag:$0x2] =	stream.linear.gather [hbm4b:s29+s4], $0x3200, $0x38;
	[tilespmem:$0x11C60] =	vst v63  }
0x5c: {  	p0 =	sne.s32 s28, $0x9600;
	_ =	swait.ge [sflag:s14], $0x3200  }
0x5d: {  	s28 =	sshra.s32 s25, $0x2;
	s25 =	smov.u32 s30;
	[sflag:s14] =	ssyncset.done $0x0  }
0x5e: {  	s29 =	sadd.s32 $0x2710, s28;
	[sflag:s14] =	ssyncadd.s32 $0xFFFFCE00  }
0x5f: {  	[spmem:s2] =	stream.indirect.scatter.add.f32 [tilespmem:s17], [sflag:$0x1], $0x20, s29, s18, $0xb8;
	[tilespmem:$0x11C60] =	vst v63  }
0x60: {  	_ = 	snop  }
0x61: {  	[spmem:s3] =	stream.indirect.scatter.add.f32 [tilespmem:s17], [sflag:$0x1], $0x20, s28, s18, $0xb8;
	[tilespmem:$0x11C60] =	vst v63  }
0x62: {  	s29 =	sadd.s32 $0x2760, s28  }
0x63: {  	[spmem:s2] =	stream.indirect.scatter.add.f32 [tilespmem:s19], [sflag:$0x1], $0x20, s29, s18, $0xb8;
	[tilespmem:$0x11C60] =	vst v63  }
0x64: {  	s29 =	sadd.s32 $0x50, s28  }
0x65: {  	[spmem:s3] =	stream.indirect.scatter.add.f32 [tilespmem:s19], [sflag:$0x1], $0x20, s29, s18, $0xb8;
	[tilespmem:$0x11C60] =	vst v63  }
0x66: {  	s29 =	sadd.s32 $0x27B0, s28  }
0x67: {  	[spmem:s2] =	stream.indirect.scatter.add.f32 [tilespmem:s20], [sflag:$0x1], $0x20, s29, s18, $0xb8;
	[tilespmem:$0x11C60] =	vst v63  }
0x68: {  	s29 =	sadd.s32 $0xA0, s28  }
0x69: {  	[spmem:s3] =	stream.indirect.scatter.add.f32 [tilespmem:s20], [sflag:$0x1], $0x20, s29, s18, $0xb8;
	[tilespmem:$0x11C60] =	vst v63  }
0x6a: {  	s29 =	sadd.s32 $0x2800, s28  }
0x6b: {  	[spmem:s2] =	stream.indirect.scatter.add.f32 [tilespmem:s21], [sflag:$0x1], $0x20, s29, s18, $0xb8;
	[tilespmem:$0x11C60] =	vst v63  }
0x6c: {  	s29 =	sadd.s32 $0xF0, s28  }
0x6d: {  	[spmem:s3] =	stream.indirect.scatter.add.f32 [tilespmem:s21], [sflag:$0x1], $0x20, s29, s18, $0xb8;
	[tilespmem:$0x11C60] =	vst v63  }
0x6e: {  	s29 =	sadd.s32 $0x2850, s28  }
0x6f: {  	[spmem:s2] =	stream.indirect.scatter.add.f32 [tilespmem:s22], [sflag:$0x1], $0x20, s29, s18, $0xb8;
	[tilespmem:$0x11C60] =	vst v63  }
0x70: {  	s28 =	sadd.s32 $0x140, s28  }
0x71: {  	[spmem:s3] =	stream.indirect.scatter.add.f32 [tilespmem:s22], [sflag:$0x1], $0x20, s28, s18, $0xb8;
	[tilespmem:$0x11C60] =	vst v63  }
0x72: {  	_ =	swait.ge [sflag:s23], $0xA00  }
0x73: {  	[sflag:s23] =	ssyncset.done $0x0  }
0x74: {  	[sflag:s23] =	ssyncadd.s32 $0xFFFFF600  }
0x75: {  	_ =	swait.ge [sflag:s23], $0xA00  }
0x76: {  	[sflag:s23] =	ssyncset.done $0x0  }
0x77: {  	[sflag:s23] =	ssyncadd.s32 $0xFFFFF600  }
0x78: {  	_ =	swait.ge [sflag:s23], $0xA00  }
0x79: {  	[sflag:s23] =	ssyncset.done $0x0  }
0x7a: {  	[sflag:s23] =	ssyncadd.s32 $0xFFFFF600  }
0x7b: {  	_ =	swait.ge [sflag:s23], $0xA00  }
0x7c: {  	[sflag:s23] =	ssyncset.done $0x0  }
0x7d: {  	[sflag:s23] =	ssyncadd.s32 $0xFFFFF600  }
0x7e: {  	_ =	swait.ge [sflag:s23], $0xA00  }
0x7f: {  	[sflag:s23] =	ssyncset.done $0x0  }
0x80: {  	[sflag:s23] =	ssyncadd.s32 $0xFFFFF600  }
0x81: {  	_ =	swait.ge [sflag:s23], $0xA00  }
0x82: {  	[sflag:s23] =	ssyncset.done $0x0  }
0x83: {  	[sflag:s23] =	ssyncadd.s32 $0xFFFFF600  }
0x84: {  	_ =	swait.ge [sflag:s23], $0xA00  }
0x85: {  	[sflag:s23] =	ssyncset.done $0x0  }
0x86: {  	[sflag:s23] =	ssyncadd.s32 $0xFFFFF600  }
0x87: {  	_ =	swait.ge [sflag:s23], $0xA00  }
0x88: {  	[sflag:s23] =	ssyncset.done $0x0  }
0x89: {  	[sflag:s23] =	ssyncadd.s32 $0xFFFFF600  }
.Ltmp0:
0x8a: {  	_ =	swait.ge [sflag:s23], $0xA00;
	(pc) =	sbr.rel @p0 .LBB2_2-.Ltmp0, $4  }
0x8b: {  	[sflag:s23] =	ssyncset.done $0x0  }
0x8c: {  	[sflag:s23] =	ssyncadd.s32 $0xFFFFF600  }
0x8d: {  	_ =	swait.ge [sflag:s23], $0xA00  }
0x8e: {  	s28 =	smov.u32 s26;
	[sflag:s23] =	ssyncset.done $0x0  }
0x8f: {  	s26 =	sadd.s32 s25, s12;
	[sflag:s23] =	ssyncadd.s32 $0xFFFFF600  }
0x90: {  	[tilespmem:s17], [sflag:$0x2] =	stream.linear.gather [hbm4b:s26+s4], $0x3200, $0x38;
	[tilespmem:$0x11C60] =	vst v63  }
0x91: {  	_ =	swait.ge [sflag:s14], $0x3200  }
0x92: {  	s25 =	sshra.s32 s25, $0x2;
	[sflag:s14] =	ssyncset.done $0x0  }
0x93: {  	s28 =	sadd.s32 $0x2710, s25;
	[sflag:s14] =	ssyncadd.s32 $0xFFFFCE00  }
0x94: {  	[spmem:s2] =	stream.indirect.scatter.add.f32 [tilespmem:s17], [sflag:$0x1], $0x20, s28, s18, $0xb8;
	[tilespmem:$0x11C60] =	vst v63  }
0x95: {  	_ = 	snop  }
0x96: {  	[spmem:s3] =	stream.indirect.scatter.add.f32 [tilespmem:s17], [sflag:$0x1], $0x20, s25, s18, $0xb8;
	[tilespmem:$0x11C60] =	vst v63  }
0x97: {  	s29 =	sadd.s32 $0x2760, s25  }
0x98: {  	[spmem:s2] =	stream.indirect.scatter.add.f32 [tilespmem:s19], [sflag:$0x1], $0x20, s29, s18, $0xb8;
	[tilespmem:$0x11C60] =	vst v63  }
0x99: {  	s30 =	sadd.s32 $0x50, s25  }
0x9a: {  	[spmem:s3] =	stream.indirect.scatter.add.f32 [tilespmem:s19], [sflag:$0x1], $0x20, s30, s18, $0xb8;
	[tilespmem:$0x11C60] =	vst v63  }
0x9b: {  	s31 =	sadd.s32 $0x27B0, s25  }
0x9c: {  	[spmem:s2] =	stream.indirect.scatter.add.f32 [tilespmem:s20], [sflag:$0x1], $0x20, s31, s18, $0xb8;
	[tilespmem:$0x11C60] =	vst v63  }
0x9d: {  	s28 =	sadd.s32 $0xA0, s25  }
0x9e: {  	[spmem:s3] =	stream.indirect.scatter.add.f32 [tilespmem:s20], [sflag:$0x1], $0x20, s28, s18, $0xb8;
	[tilespmem:$0x11C60] =	vst v63  }
0x9f: {  	s29 =	sadd.s32 $0x2800, s25  }
0xa0: {  	[spmem:s2] =	stream.indirect.scatter.add.f32 [tilespmem:s21], [sflag:$0x1], $0x20, s29, s18, $0xb8;
	[tilespmem:$0x11C60] =	vst v63  }
0xa1: {  	s30 =	sadd.s32 $0xF0, s25  }
0xa2: {  	[spmem:s3] =	stream.indirect.scatter.add.f32 [tilespmem:s21], [sflag:$0x1], $0x20, s30, s18, $0xb8;
	[tilespmem:$0x11C60] =	vst v63  }
0xa3: {  	s31 =	sadd.s32 $0x2850, s25  }
0xa4: {  	[spmem:s2] =	stream.indirect.scatter.add.f32 [tilespmem:s22], [sflag:$0x1], $0x20, s31, s18, $0xb8;
	[tilespmem:$0x11C60] =	vst v63  }
0xa5: {  	s25 =	sadd.s32 $0x140, s25  }
0xa6: {  	[spmem:s3] =	stream.indirect.scatter.add.f32 [tilespmem:s22], [sflag:$0x1], $0x20, s25, s18, $0xb8;
	[tilespmem:$0x11C60] =	vst v63  }
0xa7: {  	_ =	swait.ge [sflag:s23], $0xA00  }
0xa8: {  	[sflag:s23] =	ssyncset.done $0x0  }
0xa9: {  	[sflag:s23] =	ssyncadd.s32 $0xFFFFF600  }
0xaa: {  	_ =	swait.ge [sflag:s23], $0xA00  }
0xab: {  	[sflag:s23] =	ssyncset.done $0x0  }
0xac: {  	[sflag:s23] =	ssyncadd.s32 $0xFFFFF600  }
0xad: {  	_ =	swait.ge [sflag:s23], $0xA00  }
0xae: {  	[sflag:s23] =	ssyncset.done $0x0  }
0xaf: {  	[sflag:s23] =	ssyncadd.s32 $0xFFFFF600  }
0xb0: {  	_ =	swait.ge [sflag:s23], $0xA00  }
0xb1: {  	[sflag:s23] =	ssyncset.done $0x0  }
0xb2: {  	[sflag:s23] =	ssyncadd.s32 $0xFFFFF600  }
0xb3: {  	_ =	swait.ge [sflag:s23], $0xA00  }
0xb4: {  	[sflag:s23] =	ssyncset.done $0x0  }
0xb5: {  	[sflag:s23] =	ssyncadd.s32 $0xFFFFF600  }
0xb6: {  	_ =	swait.ge [sflag:s23], $0xA00  }
0xb7: {  	[sflag:s23] =	ssyncset.done $0x0  }
0xb8: {  	[sflag:s23] =	ssyncadd.s32 $0xFFFFF600  }
0xb9: {  	_ =	swait.ge [sflag:s23], $0xA00  }
0xba: {  	[sflag:s23] =	ssyncset.done $0x0  }
0xbb: {  	[sflag:s23] =	ssyncadd.s32 $0xFFFFF600  }
0xbc: {  	_ =	swait.ge [sflag:s23], $0xA00  }
0xbd: {  	[sflag:s23] =	ssyncset.done $0x0  }
0xbe: {  	[sflag:s23] =	ssyncadd.s32 $0xFFFFF600  }
0xbf: {  	_ =	swait.ge [sflag:s23], $0xA00  }
0xc0: {  	[sflag:s23] =	ssyncset.done $0x0  }
0xc1: {  	[sflag:s23] =	ssyncadd.s32 $0xFFFFF600  }
0xc2: {  	_ =	swait.ge [sflag:s23], $0xA00  }
0xc3: {  	[sflag:s23] =	ssyncset.done $0x0  }
0xc4: {  	[sflag:s23] =	ssyncadd.s32 $0xFFFFF600  }
0xc5: {  	[bflag:$0x0] =	sbarrier.arrive $0xFFFF  }
0xc6: {  	[hbm:s9], [sflag:s6] =	dma.local [spmem:s13], $0x9C4  }
0xc7: {  	s24 =	sadd.s32 $0x1, s24;
	_ =	swait.ge [sflag:s14], $0x9C4  }
0xc8: {  	p0 =	sne.s32 s24, s11;
	[sflag:s14] =	ssyncset.done $0x0  }
.Ltmp1:
0xc9: {  	[sflag:s14] =	ssyncadd.s32 $0xFFFFF63C;
	(pc) =	sbr.rel @p0 .LBB2_1-.Ltmp1, $4  }
0xca: {  	[hbm:s10], [sflag:s6] =	dma.local [spmem:s15], $0x9C4  }
0xcb: {  	_ =	swait.ge [sflag:s14], $0x9C4  }
0xcc: {  	[sflag:s14] =	ssyncset.done $0x0  }
0xcd: {  	[sflag:s14] =	ssyncadd.s32 $0xFFFFF63C  }
0xce: {  	_ =	sfence.sel $0x180000  }
0xcf: {  	[bflag:$0x0] =	sbarrier.arrive $0xFFFF  }
0xd0: {  	p0 =	sne.s32 s1, $0x0;
	_ =	strace $0x9000004A  }
0xd1: {  	s0 =	sadd.s32 @!p0 $0x100000, s0;
	[bflag:$0x2] =	sbarrier.arrive $0xFFFF  }
0xd2: {  	[sflag:s0] =	ssyncadd.tile.s32 @!p0 $0x1;
	_ =	shalt  }
.Lfunc_end2:
_tile_overlayer_lowered:
.L_overlay_start_2:
0xd3: {  	(tag) =	ssettag $0x2  }
0xd4: {  	s0 =	rddreg [dreg:$0x0];
	s2 =	stileid.u32  }
0xd5: {  	s1 =	rddreg [dreg:$0x1];
	p0 =	sne.s32 s2, $0x0  }
0xd6: {  	s3 =	rddreg [dreg:$0x2];
	[bflag:$0x3] =	sbarrier.arrive $0xFFFF;
	s2 =	simm.s32 @!p0 $0x1C02  }
0xd7: {  	[timem:s3], [sflag:s2] =	dma.local @!p0 [hbm:s0], s1  }
0xd8: {  	s0 =	simm.s32 @!p0 $0x2  }
0xd9: {  	_ =	swait.ge @!p0 [sflag:s0], s1  }
0xda: {  	s1 =	ssub.s32 @!p0 $0x0, s1;
	[sflag:s0] =	ssyncset.done @!p0 $0x0  }
0xdb: {  	[sflag:s0] =	ssyncadd.s32 @!p0 s1  }
0xdc: {  	[bflag:$0x3] =	sbarrier.arrive $0xFFFF  }
0xdd: {  	_ =	shalt  }

// kernel: kernel.8.cloned.1.call-start
scs
__scs_entry_jumppad:
0x0: {  	(pc) =	sbr.rel $0x88, $3  }
0x1: {  	(tag) =	ssettag $0x0;
	lr =	simm.s32 $0x1  }
0x2: {  	[smem:$0x3F98] =	sst lr;
	_ =	strace $0xD0000000  }
0x3: {  	_ = 	snop  }
0x4: {  	_ = 	snop  }
0x5: {  	_ = 	snop  }
0x6: {  	_ = 	snop  }
0x7: {  	_ = 	snop  }
__scs_overlays_trampoline_lowered:
0x8: {  	[smem:$0x3FA7] =	sst s0  }
0x9: {  	[smem:$0x3FA8] =	sst s1  }
0xa: {  	[smem:$0x3FA9] =	sst s2  }
0xb: {  	[smem:$0x3FAA] =	sst s3  }
0xc: {  	[smem:$0x3FAB] =	sst s4  }
0xd: {  	[smem:$0x3FAC] =	sst s5  }
0xe: {  	[smem:$0x3FAD] =	sst s6  }
0xf: {  	[smem:$0x3FAE] =	sst s7  }
0x10: {  	[smem:$0x3FAF] =	sst s8  }
0x11: {  	[smem:$0x3FB0] =	sst s9;
	s0 =	simm.s32 @!p0 $0x0  }
0x12: {  	s1 =	sld [smem:$0x3F96];
	s0 =	simm.s32 @p0 $0x1  }
0x13: {  	[smem:$0x3FB1] =	sst s0;
	s0 =	simm.s32 @!p1 $0x0  }
0x14: {  	s2 =	sld [smem:$0x3F95];
	s0 =	simm.s32 @p1 $0x1  }
0x15: {  	[smem:$0x3FB2] =	sst s0;
	s0 =	simm.s32 @!p2 $0x0  }
0x16: {  	s3 =	sld [smem:$0x3FDB];
	s0 =	simm.s32 @p2 $0x1  }
0x17: {  	s4 =	simm.s32 $0x1BF5;
	[smem:$0x3FB4] =	sst s0  }
0x18: {  	s0 =	sld [smem:$0x3F97];
	_ =	swait.ge [sflag:s4], $0x0  }
0x19: {  	s7 =	sld [smem:$0x3F98]  }
0x1a: {  	s8 =	sadd.s32 $0xFFFFE003, lr  }
0x1b: {  	s9 =	sadd.s32 $0xFFFFFEF7, lr;
	s5 =	simm.s32 $0xFFFFFFFF;
	p2 =	slt.u32 s8, $0xFFFFF086  }
0x1c: {  	p1 =	slt.u32 s9, $0xF7A;
	s5 =	simm.s32 @!p2 $0x0  }
0x1d: {  	s5 =	simm.s32 @p1 $0x1;
	p0 =	seq.s32 s7, s2  }
0x1e: {  	s7 =	smul.u32 @!p0 $0xF7A, s2;
	p2 =	seq.s32 @!p0 s5, $0x0  }
0x1f: {  	s9 =	smul.u32 $0xF7A, s1;
	s8 =	simm.s32 @!p0 $0x1BF5;
	p2 =	por !p2, p0  }
0x20: {  	[sflag:s8] =	ssyncset.s32 @!p0 $0xFFFFF086;
	s6 =	sadd.s32 @!p0 s3, s7;
	s7 =	simm.s32 @!p0 $0x108  }
0x21: {  	s3 =	sadd.s32 s3, s9;
	s6 =	sadd.s32 @!p0 $0x88, s6;
	s7 =	simm.s32 @p2 $0x1082  }
0x22: {  	[simem:s7], [sflag:s8] =	dma.local @!p0 [hbm:s6], $0xF7A  }
0x23: {  	s9 =	sor.u32 $0xD0000000, s2;
	s6 =	simm.s32 $0x108;
	_ =	swait.ge @!p0 [sflag:s8], $0x0  }
0x24: {  	s3 =	sadd.s32 $0x88, s3;
	s6 =	simm.s32 @!p1 $0x1082;
	[sflag:s4] =	ssyncset.s32 $0xFFFFF086  }
0x25: {  	[simem:s6], [sflag:s4] =	dma.local [hbm:s3], $0xF7A  }
0x26: {  	[smem:$0x3F98] =	sst s1;
	(tag) =	ssettag s2;
	_ =	strace s9  }
0x27: {  	s1 =	sld [smem:$0x3FA8]  }
0x28: {  	s2 =	sld [smem:$0x3FA9]  }
0x29: {  	s4 =	sld [smem:$0x3FAB]  }
0x2a: {  	p0 =	seq.s32 s5, $0x0;
	s5 =	sld [smem:$0x3FAC]  }
0x2b: {  	s6 =	sld [smem:$0x3FAD]  }
0x2c: {  	s7 =	sld [smem:$0x3FAE]  }
0x2d: {  	s3 =	simm.s32 $0x108;
	s8 =	sld [smem:$0x3FAF]  }
0x2e: {  	s3 =	simm.s32 @!p0 $0x1082;
	s9 =	sld [smem:$0x3FB0]  }
0x2f: {  	lr =	sadd.s32 s0, s3;
	s0 =	sld [smem:$0x3FA7]  }
0x30: {  	s3 =	sld [smem:$0x3FAA]  }
0x31: {  	[smem:$0x3FB3] =	sst s10  }
0x32: {  	s10 =	sld [smem:$0x3FB1];
	_ =	sdelay $0x3  }
0x33: {  	p0 =	seq.s32 s10, $0x1;
	s10 =	sld [smem:$0x3FB3];
	_ =	sdelay $0x3  }
0x34: {  	[smem:$0x3FB3] =	sst s10  }
0x35: {  	s10 =	sld [smem:$0x3FB2];
	_ =	sdelay $0x3  }
0x36: {  	p1 =	seq.s32 s10, $0x1;
	s10 =	sld [smem:$0x3FB3];
	_ =	sdelay $0x3  }
0x37: {  	[smem:$0x3FB3] =	sst s10  }
0x38: {  	s10 =	sld [smem:$0x3FB4]  }
0x39: {  	_ = 	snop;
	(pc) =	sbr.ind lr, $3  }
0x3a: {  	_ = 	snop  }
0x3b: {  	_ = 	snop  }
0x3c: {  	p2 =	seq.s32 s10, $0x1;
	s10 =	sld [smem:$0x3FB3]  }
0x3d: {  	_ =	shalt  }
0x3e: {  	_ =	shalt  }
0x3f: {  	_ =	shalt  }
0x40: {  	_ =	shalt  }
0x41: {  	_ =	shalt  }
0x42: {  	_ =	shalt  }
0x43: {  	_ =	shalt  }
0x44: {  	_ =	shalt  }
0x45: {  	_ =	shalt  }
0x46: {  	_ =	shalt  }
0x47: {  	_ =	shalt  }
0x48: {  	_ =	shalt  }
0x49: {  	_ =	shalt  }
0x4a: {  	_ =	shalt  }
0x4b: {  	_ =	shalt  }
0x4c: {  	_ =	shalt  }
0x4d: {  	_ =	shalt  }
0x4e: {  	_ =	shalt  }
0x4f: {  	_ =	shalt  }
0x50: {  	_ =	shalt  }
0x51: {  	_ =	shalt  }
0x52: {  	_ =	shalt  }
0x53: {  	_ =	shalt  }
0x54: {  	_ =	shalt  }
0x55: {  	_ =	shalt  }
0x56: {  	_ =	shalt  }
0x57: {  	_ =	shalt  }
0x58: {  	_ =	shalt  }
0x59: {  	_ =	shalt  }
0x5a: {  	_ =	shalt  }
0x5b: {  	_ =	shalt  }
0x5c: {  	_ =	shalt  }
0x5d: {  	_ =	shalt  }
0x5e: {  	_ =	shalt  }
0x5f: {  	_ =	shalt  }
0x60: {  	_ =	shalt  }
0x61: {  	_ =	shalt  }
0x62: {  	_ =	shalt  }
0x63: {  	_ =	shalt  }
0x64: {  	_ =	shalt  }
0x65: {  	_ =	shalt  }
0x66: {  	_ =	shalt  }
0x67: {  	_ =	shalt  }
0x68: {  	_ =	shalt  }
0x69: {  	_ =	shalt  }
0x6a: {  	_ =	shalt  }
0x6b: {  	_ =	shalt  }
0x6c: {  	_ =	shalt  }
0x6d: {  	_ =	shalt  }
0x6e: {  	_ =	shalt  }
0x6f: {  	_ =	shalt  }
0x70: {  	_ =	shalt  }
0x71: {  	_ =	shalt  }
0x72: {  	_ =	shalt  }
0x73: {  	_ =	shalt  }
0x74: {  	_ =	shalt  }
0x75: {  	_ =	shalt  }
0x76: {  	_ =	shalt  }
0x77: {  	_ =	shalt  }
0x78: {  	_ =	shalt  }
0x79: {  	_ =	shalt  }
0x7a: {  	_ =	shalt  }
0x7b: {  	_ =	shalt  }
0x7c: {  	_ =	shalt  }
0x7d: {  	_ =	shalt  }
0x7e: {  	_ =	shalt  }
0x7f: {  	_ =	shalt  }
0x80: {  	_ =	shalt  }
0x81: {  	_ =	shalt  }
0x82: {  	_ =	shalt  }
0x83: {  	_ =	shalt  }
0x84: {  	_ =	shalt  }
0x85: {  	_ =	shalt  }
0x86: {  	_ =	shalt  }
0x87: {  	_ =	shalt  }
.Lfunc_end0:
.L_simem_size_0:
called_computation_lowered:
.L_overlay_start_0:
0x88: {  	s2 =	sld [smem:$0x3FD9]  }
0x89: {  	s3 =	sld [smem:$0x3FFE];
	_ =	sdelay $0x1  }
0x8a: {  	s1 =	srdreg.scid  }
0x8b: {  	s0 =	sand.u32 $0x1, s1  }
0x8c: {  	s17 =	sshll.u32 s0, $0xA;
	s2 =	sadd.s32 s3, s2  }
0x8d: {  	s2 =	sadd.s32 s2, s17  }
0x8e: {  	[smem:$0x3FBF] =	sst s2  }
0x8f: {  	_ = 	snop  }
0x90: {  	s2 =	sld [smem:$0x3FD0];
	(tm) =	ssettm $0x1  }
0x91: {  	s18 =	sld [smem:$0x3FFB];
	_ =	sdelay $0x3  }
0x92: {  	_ =	strace s18  }
0x93: {  	s3 =	sld [smem:$0x3FFC];
	_ =	sdelay $0x3  }
0x94: {  	_ =	strace s3  }
0x95: {  	s3 =	sld [smem:$0x3FFD];
	_ =	sdelay $0x3  }
0x96: {  	_ =	strace s3  }
0x97: {  	_ =	strace $0x8FFFFFFF  }
0x98: {  	s19 =	sld [smem:$0x3FDB];
	_ =	sdelay $0x1  }
0x99: {  	s4 =	simm.s32 $_scs_section_size  }
0x9a: {  	s5 =	simm.s32 $_size__tile_overlayer_lowered;
	s6 =	simm.s32 $_tile_overlayer_lowered  }
0x9b: {  	s22 =	simm.s32 $0x1BFF;
	s21 =	sshll.u32 s6, $0x1;
	s3 =	sadd.s32 s4, s19  }
0x9c: {  	s7 =	simm.s32 $0x0;
	s20 =	sshll.u32 s5, $0x1;
	s5 =	sadd.s32 s21, s3  }
0x9d: {  	[timem:s7], [sflag:s22] =	dma.local [hbm:s5], s20  }
0x9e: {  	_ =	swait.ge [sflag:s22], s20  }
0x9f: {  	s4 =	ssub.s32 $0x0, s20;
	[sflag:s22] =	ssyncset.done $0x0  }
0xa0: {  	[sflag:s22] =	ssyncadd.s32 s4;
	_ =	sdelay $0x1  }
0xa1: {  	s23 =	simm.s32 $0x1B8B  }
0xa2: {  	_ =	swait.ge [sflag:s23], $0x1  }
0xa3: {  	[sflag:s23] =	ssyncset.done $0x0  }
0xa4: {  	s25 =	simm.s32 $0x1B8E;
	s24 =	sld [smem:$0x3FFE];
	[sflag:s23] =	ssyncadd.s32 $0xFFFFFFFF  }
0xa5: {  	s26 =	simm.s32 $execute0_lowered;
	[smem:$0x3FD2] =	sst s25  }
0xa6: {  	s5 =	sshll.u32 s26, $0x1;
	_ =	strace $0x80000046;
	[dreg:$0x1] =	wrdreg $0xFFFFFFFF  }
0xa7: {  	s28 =	simm.s32 $_size_execute0_lowered;
	s3 =	sadd.s32 s3, s5;
	[dreg:$0x0] =	wrdreg $0x0  }
0xa8: {  	s5 =	sshll.u32 s28, $0x1;
	[dreg:$0x2] =	wrdreg s3  }
0xa9: {  	[dreg:$0x3] =	wrdreg s5  }
0xaa: {  	[dreg:$0x4] =	wrdreg $0xC0  }
0xab: {  	_ =	task [dreg:s7], $0x5FFFF  }
0xac: {  	[dreg:$0x1] =	wrdreg $0xFFFFFFFF  }
0xad: {  	[dreg:$0x0] =	wrdreg $0x60  }
0xae: {  	[dreg:$0x2] =	wrdreg s24  }
0xaf: {  	[dreg:$0x3] =	wrdreg s2  }
0xb0: {  	[dreg:$0x4] =	wrdreg $0x9  }
0xb1: {  	_ =	task.clear_ibuf [dreg:s7], $0x5FFFF;
	_ =	strace $0x90000046  }
0xb2: {  	s29 =	simm.s32 $0x9;
	_ =	strace $0x80000048  }
0xb3: {  	_ =	swait.ge [sflag:s29], $0x1  }
0xb4: {  	[sflag:s29] =	ssyncadd.s32 $0xFFFFFFFF  }
0xb5: {  	_ =	strace $0x90000048  }
0xb6: {  	_ =	sfence  }
0xb7: {  	s30 =	sld [smem:$0x0];
	_ =	sdelay $0x2  }
0xb8: {  	s31 =	sshll.u32 s1, $0xD;
	s1 =	sshrl.u32 s1, $0x2  }
0xb9: {  	s3 =	sand.u32 $0x4000, s31;
	s1 =	sadd.s32 s1, s30  }
0xba: {  	s0 =	sor.u32 s3, s0;
	s1 =	sshll.u32 s1, $0x11  }
0xbb: {  	s0 =	sor.u32 s1, s0  }
0xbc: {  	s0 =	sadd.s32 $0x8F2B, s0  }
0xbd: {  	[sflag:s0] =	ssyncadd.remote.s32 $0x1  }
0xbe: {  	_ =	sfence.sel $0xFFFF  }
0xbf: {  	[dreg:$0x0] =	wrdreg $0xFFFFFFFF;
	(pc) =	sbr.abs _section_cstart, $3  }
0xc0: {  	[dreg:$0x1] =	wrdreg $0xFFFFFFFF  }
0xc1: {  	_ =	task.clear_ibuf [dreg:s7], $0x2FFFF;
	_ =	strace $0x9FFFFFFF  }
0xc2: {  	(tm) =	ssettm $0x7FFFFFFF  }
0xc3: {  	_ =	shalt  }
tec
execute0_lowered:
.L_overlay_start_1:
0x0: {  	(tag) =	ssettag $0x1  }
0x1: {  	s5 =	rddreg [dreg:$0x0]  }
0x2: {  	s1 =	rddreg [dreg:$0x1];
	s2 =	srdreg.scid  }
0x3: {  	s0 =	rddreg [dreg:$0x2];
	s3 =	simm.s32 $0x0;
	s12 =	simm.s32 $0x50  }
0x4: {  	s13 =	simm.s32 $0x4E20;
	s14 =	simm.s32 $0x9920;
	s15 =	simm.s32 $0x5D20  }
0x5: {  	s16 =	simm.s32 $0xA320;
	s17 =	simm.s32 $0x6C20;
	s18 =	simm.s32 $0xAD20  }
0x6: {  	s19 =	simm.s32 $0x7B20;
	s20 =	simm.s32 $0xB720;
	s4 =	sand.u32 $0x1, s2  }
0x7: {  	s21 =	simm.s32 $0x8A20;
	s2 =	stileid.u32;
	s6 =	smul.u32 $0x4E20, s4  }
0x8: {  	s22 =	simm.s32 $0xC120;
	s23 =	simm.s32 $0x1;
	s7 =	smul.u32 $0x4E2, s2  }
0x9: {  	s24 =	simm.s32 $0x0;
	[smem:$0x7FF] =	sst s3;
	s8 =	smul.u32 $0x27100, s4  }
0xa: {  	_ =	strace $0x80000047;
	s30 =	ssub.s32 $0x2, s4;
	s9 =	smul.u32 $0x2710, s2  }
0xb: {  	s4 =	sadd.s32 $0x1FE00, s5;
	s31 =	sshrl.u32 s30, $0x1;
	s6 =	sadd.s32 s7, s6  }
0xc: {  	s11 =	ssub.s32 s30, s31;
	s10 =	sadd.s32 s6, s5;
	s5 =	sadd.s32 $0x33800, s5  }
0xd: {  	s6 =	sadd.s32 s9, s8;
	s9 =	smax.u32 s11, $0x1;
	s11 =	simm.s32 $0x2710  }
0xe: {  	s7 =	sadd.s32 $0x16000, s10;
	s8 =	sadd.s32 $0xC200, s10;
	s10 =	simm.s32 $0x2  }
.LBB2_1:
0xf: {  	[tilespmem:s3], [sflag:$0x2] =	stream.linear.gather [hbm4b:s7+s3], $0x2710, $0x38;
	[tilespmem:$0xCB20] =	vst v63  }
0x10: {  	_ =	swait.ge [sflag:s10], $0x2710  }
0x11: {  	[sflag:s10] =	ssyncset.done $0x0  }
0x12: {  	[sflag:s10] =	ssyncadd.s32 $0xFFFFD8F0  }
0x13: {  	[tilespmem:s11], [sflag:$0x2] =	stream.linear.gather [hbm4b:s8+s3], $0x2710, $0x38;
	[tilespmem:$0xCB20] =	vst v63  }
0x14: {  	_ =	swait.ge [sflag:s10], $0x2710  }
0x15: {  	[sflag:s10] =	ssyncset.done $0x0  }
0x16: {  	s25 =	simm.s32 $0x0;
	[sflag:s10] =	ssyncadd.s32 $0xFFFFD8F0  }
.LBB2_2:
0x17: {  	s26 =	smul.u32 $0x190, s25;
	_ =	sdelay $0x1  }
0x18: {  	[tilespmem:s13], [sflag:$0x1] =	stream.indirect.gather [hbm4b:s1+s12], $0x30, s26, s12, $0xb8;
	[tilespmem:$0xCB20] =	vst v63  }
0x19: {  	s28 =	sadd.s32 $0x2710, s26  }
0x1a: {  	[tilespmem:s14], [sflag:$0x1] =	stream.indirect.gather [hbm4b:s4+s12], $0x20, s28, s12, $0xb8;
	[tilespmem:$0xCB20] =	vst v63  }
0x1b: {  	s28 =	sadd.s32 $0x50, s26  }
0x1c: {  	[tilespmem:s15], [sflag:$0x1] =	stream.indirect.gather [hbm4b:s1+s12], $0x30, s28, s12, $0xb8;
	[tilespmem:$0xCB20] =	vst v63  }
0x1d: {  	s28 =	sadd.s32 $0x2760, s26  }
0x1e: {  	[tilespmem:s16], [sflag:$0x1] =	stream.indirect.gather [hbm4b:s4+s12], $0x20, s28, s12, $0xb8;
	[tilespmem:$0xCB20] =	vst v63  }
0x1f: {  	s28 =	sadd.s32 $0xA0, s26  }
0x20: {  	[tilespmem:s17], [sflag:$0x1] =	stream.indirect.gather [hbm4b:s1+s12], $0x30, s28, s12, $0xb8;
	[tilespmem:$0xCB20] =	vst v63  }
0x21: {  	s28 =	sadd.s32 $0x27B0, s26  }
0x22: {  	[tilespmem:s18], [sflag:$0x1] =	stream.indirect.gather [hbm4b:s4+s12], $0x20, s28, s12, $0xb8;
	[tilespmem:$0xCB20] =	vst v63  }
0x23: {  	s28 =	sadd.s32 $0xF0, s26  }
0x24: {  	[tilespmem:s19], [sflag:$0x1] =	stream.indirect.gather [hbm4b:s1+s12], $0x30, s28, s12, $0xb8;
	[tilespmem:$0xCB20] =	vst v63  }
0x25: {  	s28 =	sadd.s32 $0x2800, s26  }
0x26: {  	[tilespmem:s20], [sflag:$0x1] =	stream.indirect.gather [hbm4b:s4+s12], $0x20, s28, s12, $0xb8;
	[tilespmem:$0xCB20] =	vst v63  }
0x27: {  	s28 =	sadd.s32 $0x140, s26  }
0x28: {  	[tilespmem:s21], [sflag:$0x1] =	stream.indirect.gather [hbm4b:s1+s12], $0x30, s28, s12, $0xb8;
	[tilespmem:$0xCB20] =	vst v63  }
0x29: {  	s28 =	sadd.s32 $0x2850, s26  }
0x2a: {  	[tilespmem:s22], [sflag:$0x1] =	stream.indirect.gather [hbm4b:s4+s12], $0x20, s28, s12, $0xb8;
	[tilespmem:$0xCB20] =	vst v63  }
0x2b: {  	_ =	swait.ge [sflag:s23], $0xF00  }
0x2c: {  	[sflag:s23] =	ssyncset.done $0x0  }
0x2d: {  	[sflag:s23] =	ssyncadd.s32 $0xFFFFF100  }
0x2e: {  	_ =	swait.ge [sflag:s23], $0xA00  }
0x2f: {  	[sflag:s23] =	ssyncset.done $0x0  }
0x30: {  	[sflag:s23] =	ssyncadd.s32 $0xFFFFF600  }
0x31: {  	_ =	swait.ge [sflag:s23], $0xF00  }
0x32: {  	[sflag:s23] =	ssyncset.done $0x0  }
0x33: {  	[sflag:s23] =	ssyncadd.s32 $0xFFFFF100  }
0x34: {  	_ =	swait.ge [sflag:s23], $0xA00  }
0x35: {  	[sflag:s23] =	ssyncset.done $0x0  }
0x36: {  	[sflag:s23] =	ssyncadd.s32 $0xFFFFF600  }
0x37: {  	_ =	swait.ge [sflag:s23], $0xF00  }
0x38: {  	[sflag:s23] =	ssyncset.done $0x0  }
0x39: {  	[sflag:s23] =	ssyncadd.s32 $0xFFFFF100  }
0x3a: {  	_ =	swait.ge [sflag:s23], $0xA00  }
0x3b: {  	[sflag:s23] =	ssyncset.done $0x0  }
0x3c: {  	[sflag:s23] =	ssyncadd.s32 $0xFFFFF600  }
0x3d: {  	_ =	swait.ge [sflag:s23], $0xF00  }
0x3e: {  	[sflag:s23] =	ssyncset.done $0x0  }
0x3f: {  	[sflag:s23] =	ssyncadd.s32 $0xFFFFF100  }
0x40: {  	_ =	swait.ge [sflag:s23], $0xA00  }
0x41: {  	[sflag:s23] =	ssyncset.done $0x0  }
0x42: {  	[sflag:s23] =	ssyncadd.s32 $0xFFFFF600  }
0x43: {  	_ =	swait.ge [sflag:s23], $0xF00  }
0x44: {  	[sflag:s23] =	ssyncset.done $0x0  }
0x45: {  	[sflag:s23] =	ssyncadd.s32 $0xFFFFF100  }
0x46: {  	_ =	swait.ge [sflag:s23], $0xA00  }
0x47: {  	[sflag:s23] =	ssyncset.done $0x0  }
0x48: {  	s28 =	simm.s32 $0x0;
	[sflag:s23] =	ssyncadd.s32 $0xFFFFF600  }
0x49: {  	s29 =	simm.s32 $0x9930;
	s30 =	simm.s32 $0xC0;
	v0 =	vld [tilespmem:s28+$0x4E20]  }
.LBB2_3:
0x4a: {  	p0 =	sne.s32 s30, $0x12B40;
	v1 =	vld [tilespmem:s29+$0xFFFFFFF0];
	_ =	sdelay $0x4  }
0x4b: {  	v0 =	vadd.f32 v1, v0;
	_ =	sdelay $0x1  }
0x4c: {  	[tilespmem:s28+$0x4E20] =	vst v0;
	v0 =	vld [tilespmem:s28+$0x4E30]  }
0x4d: {  	v1 =	vld [tilespmem:s29+$0x0];
	_ =	sdelay $0x2  }
.Ltmp0:
0x4e: {  	(pc) =	sbr.rel @p0 .LBB2_3-.Ltmp0, $4  }
0x4f: {  	_ = 	snop  }
0x50: {  	v1 =	vadd.f32 v1, v0  }
0x51: {  	s31 =	sshra.s32 s30, $0x2  }
0x52: {  	s30 =	sadd.s32 $0xC0, s30;
	s29 =	sadd.s32 $0x20, s29;
	v0 =	vld [tilespmem:s31+$0x4E20];
	[tilespmem:s28+$0x4E30] =	vst v1;
	s28 =	smov.u32 s31  }
0x53: {  	v1 =	vld [tilespmem:s29+$0xFFFFFFF0];
	_ =	sdelay $0x4  }
0x54: {  	v0 =	vadd.f32 v1, v0;
	_ =	sdelay $0x1  }
0x55: {  	v62 =	vld [tilespmem:s28+$0x4E30];
	[tilespmem:s28+$0x4E20] =	vst v0  }
0x56: {  	v63 =	vld [tilespmem:s29+$0x0];
	_ =	sdelay $0x3  }
0x57: {  	s26 =	sadd.s32 s26, s6  }
0x58: {  	s25 =	sadd.s32 $0x1, s25;
	s26 =	smul.u32 $0x6, s26;
	v0 =	vadd.f32 v63, v62  }
0x59: {  	p0 =	sne.s32 s25, $0x19  }
.Ltmp1:
0x5a: {  	s26 =	sadd.s32 s5, s26;
	[tilespmem:s28+$0x4E30] =	vst v0;
	(pc) =	sbr.rel @p0 .LBB2_2-.Ltmp1, $4  }
0x5b: {  	[hbm4b:s26+s3] =	stream.linear.scatter [tilespmem:s13], [sflag:$0x2], $0x4B00, $0x38;
	[tilespmem:$0xCB20] =	vst v63  }
0x5c: {  	_ =	swait.ge [sflag:s10], $0x4B00  }
0x5d: {  	[sflag:s10] =	ssyncset.done $0x0  }
0x5e: {  	[sflag:s10] =	ssyncadd.s32 $0xFFFFB500  }
0x5f: {  	s24 =	sadd.s32 $0x1, s24  }
0x60: {  	p0 =	sne.s32 s24, s9  }
.Ltmp2:
0x61: {  	_ = 	snop;
	(pc) =	sbr.rel @p0 .LBB2_1-.Ltmp2, $1  }
0x62: {  	_ =	sdelay $0x3  }
0x63: {  	_ =	sfence.sel $0x180000  }
0x64: {  	[bflag:$0x0] =	sbarrier.arrive $0xFFFF  }
0x65: {  	p0 =	sne.s32 s2, $0x0;
	_ =	strace $0x90000047  }
0x66: {  	s0 =	sadd.s32 @!p0 $0x100000, s0;
	[bflag:$0x2] =	sbarrier.arrive $0xFFFF  }
0x67: {  	[sflag:s0] =	ssyncadd.tile.s32 @!p0 $0x1;
	_ =	shalt  }
.Lfunc_end2:
_tile_overlayer_lowered:
.L_overlay_start_2:
0x68: {  	(tag) =	ssettag $0x2  }
0x69: {  	s0 =	rddreg [dreg:$0x0];
	s2 =	stileid.u32  }
0x6a: {  	s1 =	rddreg [dreg:$0x1];
	p0 =	sne.s32 s2, $0x0  }
0x6b: {  	s3 =	rddreg [dreg:$0x2];
	[bflag:$0x3] =	sbarrier.arrive $0xFFFF;
	s2 =	simm.s32 @!p0 $0x1C02  }
0x6c: {  	[timem:s3], [sflag:s2] =	dma.local @!p0 [hbm:s0], s1  }
0x6d: {  	s0 =	simm.s32 @!p0 $0x2  }
0x6e: {  	_ =	swait.ge @!p0 [sflag:s0], s1  }
0x6f: {  	s1 =	ssub.s32 @!p0 $0x0, s1;
	[sflag:s0] =	ssyncset.done @!p0 $0x0  }
0x70: {  	[sflag:s0] =	ssyncadd.s32 @!p0 s1  }
0x71: {  	[bflag:$0x3] =	sbarrier.arrive $0xFFFF  }
0x72: {  	_ =	shalt  }

</sc_bundles>
